<compile_context>
chip_gen: v7x
topology: tpu7x:2x2x1
jax: 0.10.2.dev20260603
libtpu: 0.0.44.dev20260713+nightly
codegen_flags: <defaults>
</compile_context>

<pallas_src>
import jax
import jax.numpy as jnp
from jax import lax
from jax.experimental import pallas as pl
from jax.experimental.pallas import tpu as pltpu
from jax.experimental.pallas import tpu_sc as plsc

V = 1000000
D = 64
HID = 600
OUT = 1000
B = 4096
TLEN = 20
SLEN = 200

NC = 2
NS = 16
NW = NC * NS
BPW = B // NW
NLANE = 16
NV = D // NLANE

def _flatten_row(src2d, dst1d, row, dst_base, n, iota):
    full = n - n % NLANE
    for c in range(0, full, NLANE):
        vals = src2d[row, pl.ds(c, NLANE)]
        plsc.store_scatter(dst1d, [dst_base + c + iota], vals)
    if full < n:
        tail = n - NLANE
        rows = jnp.full((NLANE,), row, jnp.int32)
        vals = plsc.load_gather(src2d, [rows, tail + iota])
        plsc.store_scatter(dst1d, [dst_base + tail + iota], vals)


def _flatten_body(title_hbm, snip_hbm, tout_hbm, sout_hbm,
                  t2d, s2d, tfl, sfl):
    cid = lax.axis_index("c")
    sid = lax.axis_index("s")
    wid = sid * NC + cid
    base = wid * BPW
    iota = lax.iota(jnp.int32, NLANE)

    pltpu.sync_copy(title_hbm.at[pl.ds(base, BPW)], t2d)
    pltpu.sync_copy(snip_hbm.at[pl.ds(base, BPW)], s2d)

    def body(r, carry):
        _flatten_row(t2d, tfl, r, r * TLEN, TLEN, iota)
        _flatten_row(s2d, sfl, r, r * SLEN, SLEN, iota)
        return carry

    lax.fori_loop(0, BPW, body, 0)

    pltpu.sync_copy(tfl, tout_hbm.at[pl.ds(base * TLEN, BPW * TLEN)])
    pltpu.sync_copy(sfl, sout_hbm.at[pl.ds(base * SLEN, BPW * SLEN)])


def _flatten(title, snippet):
    mesh = plsc.VectorSubcoreMesh(core_axis_name="c", subcore_axis_name="s")
    fn = pl.kernel(
        _flatten_body,
        mesh=mesh,
        out_type=(jax.ShapeDtypeStruct((B * TLEN,), jnp.int32),
                  jax.ShapeDtypeStruct((B * SLEN,), jnp.int32)),
        scratch_types=[
            pltpu.VMEM((BPW, TLEN), jnp.int32),
            pltpu.VMEM((BPW, SLEN), jnp.int32),
            pltpu.VMEM((BPW * TLEN,), jnp.int32),
            pltpu.VMEM((BPW * SLEN,), jnp.int32),
        ],
        compiler_params=pltpu.CompilerParams(needs_layout_passes=False),
    )
    return fn(title, snippet)


GROUP = 2
NG = BPW // GROUP
TG = GROUP * TLEN
SG = GROUP * SLEN


def _pool_body(tflat_hbm, sflat_hbm, ttab_hbm, stab_hbm, out_hbm,
               idx_t, idx_s, tbufA, sbufA, tbufB, sbufB, acc, semA, semB):
    cid = lax.axis_index("c")
    sid = lax.axis_index("s")
    wid = sid * NC + cid
    base = wid * BPW

    pltpu.sync_copy(tflat_hbm.at[pl.ds(base * TLEN, BPW * TLEN)], idx_t)
    pltpu.sync_copy(sflat_hbm.at[pl.ds(base * SLEN, BPW * SLEN)], idx_s)

    def fire(g, tbuf, sbuf, sem):
        pltpu.async_copy(ttab_hbm.at[idx_t.at[pl.ds(g * TG, TG)]], tbuf, sem)
        pltpu.async_copy(stab_hbm.at[idx_s.at[pl.ds(g * SG, SG)]], sbuf, sem)

    def drain(g, tbuf, sbuf, sem):
        pltpu.make_async_copy(
            ttab_hbm.at[idx_t.at[pl.ds(g * TG, TG)]], tbuf, sem).wait()
        pltpu.make_async_copy(
            stab_hbm.at[idx_s.at[pl.ds(g * SG, SG)]], sbuf, sem).wait()

    def accumulate(g, tbuf, sbuf):
        zeros = tuple(jnp.zeros((NLANE,), jnp.float32) for _ in range(NV))
        for k in range(GROUP):
            row = g * GROUP + k

            def tbody(t, vs):
                b = k * TLEN + 2 * t
                return tuple(
                    vs[c] + tbuf[b, pl.ds(c * NLANE, NLANE)]
                    + tbuf[b + 1, pl.ds(c * NLANE, NLANE)]
                    for c in range(NV))

            tv = lax.fori_loop(0, TLEN // 2, tbody, zeros)
            for c in range(NV):
                acc[row, pl.ds(c * NLANE, NLANE)] = tv[c] * (1.0 / TLEN)

            def sbody(t, vs):
                b = k * SLEN + 2 * t
                return tuple(
                    vs[c] + sbuf[b, pl.ds(c * NLANE, NLANE)]
                    + sbuf[b + 1, pl.ds(c * NLANE, NLANE)]
                    for c in range(NV))

            sv = lax.fori_loop(0, SLEN // 2, sbody, zeros)
            for c in range(NV):
                acc[row, pl.ds(D + c * NLANE, NLANE)] = sv[c] * (1.0 / SLEN)

    fire(0, tbufA, sbufA, semA)
    bufs = ((tbufA, sbufA, semA), (tbufB, sbufB, semB))

    def body(i, carry):
        for p in range(2):
            g = i * 2 + p
            tbuf, sbuf, sem = bufs[p]
            ntbuf, nsbuf, nsem = bufs[1 - p]

            @pl.when(g + 1 < NG)
            def _():
                fire(g + 1, ntbuf, nsbuf, nsem)

            drain(g, tbuf, sbuf, sem)
            accumulate(g, tbuf, sbuf)
        return carry

    lax.fori_loop(0, NG // 2, body, 0)

    pltpu.sync_copy(acc, out_hbm.at[pl.ds(base, BPW)])


def _pool(tflat, sflat, ttab, stab):
    mesh = plsc.VectorSubcoreMesh(core_axis_name="c", subcore_axis_name="s")
    fn = pl.kernel(
        _pool_body,
        mesh=mesh,
        out_type=jax.ShapeDtypeStruct((B, 2 * D), jnp.float32),
        scratch_types=[
            pltpu.VMEM((BPW * TLEN,), jnp.int32),
            pltpu.VMEM((BPW * SLEN,), jnp.int32),
            pltpu.VMEM((TG, D), jnp.float32),
            pltpu.VMEM((SG, D), jnp.float32),
            pltpu.VMEM((TG, D), jnp.float32),
            pltpu.VMEM((SG, D), jnp.float32),
            pltpu.VMEM((BPW, 2 * D), jnp.float32),
            pltpu.SemaphoreType.DMA,
            pltpu.SemaphoreType.DMA,
        ],
        compiler_params=pltpu.CompilerParams(use_tc_tiling_on_sc=False),
    )
    return fn(tflat, sflat, ttab, stab)


def _mlp_body(x_ref, w1_ref, b1_ref, w2_ref, b2_ref, o_ref):
    h = jnp.dot(x_ref[...], w1_ref[...], preferred_element_type=jnp.float32)
    h = jnp.maximum(h + b1_ref[...], 0.0)
    o_ref[...] = (jnp.dot(h, w2_ref[...], preferred_element_type=jnp.float32)
                  + b2_ref[...])


def _mlp(x, W1, b1, W2, b2):
    TB = 512
    grid = (B // TB,)
    return pl.pallas_call(
        _mlp_body,
        grid=grid,
        in_specs=[
            pl.BlockSpec((TB, 2 * D), lambda i: (i, 0)),
            pl.BlockSpec((2 * D, HID), lambda i: (0, 0)),
            pl.BlockSpec((1, HID), lambda i: (0, 0)),
            pl.BlockSpec((HID, OUT), lambda i: (0, 0)),
            pl.BlockSpec((1, OUT), lambda i: (0, 0)),
        ],
        out_specs=pl.BlockSpec((TB, OUT), lambda i: (i, 0)),
        out_shape=jax.ShapeDtypeStruct((B, OUT), jnp.float32),
    )(x, W1, b1, W2, b2)


def kernel(title, snippet, title_table, snippet_table, W1, b1, W2, b2):
    tflat, sflat = _flatten(title.astype(jnp.int32), snippet.astype(jnp.int32))
    combined = _pool(tflat, sflat, title_table, snippet_table)
    return _mlp(combined, W1, b1.reshape(1, HID), W2, b2.reshape(1, OUT))

# --- scband reference (transcript-rebuilt; emitter-appended) ---
"""Pipeline reference for scband-simple-classifier-65283502899496 (READ-ONLY COPY).

The authoritative reference and input builder live on the scoring server;
editing this copy changes nothing except your own understanding.
"""

import jax, jax.numpy as jnp
import numpy as np

V = 1000000
D = 64
HID = 600
OUT = 1000
B = 4096
TLEN = 20
SLEN = 200


def setup_inputs(seed: int = 0) -> dict:
    key = jax.random.key(seed)
    ks = jax.random.split(key, 8)
    title = jax.random.randint(ks[0], (B, TLEN), 0, V, dtype=jnp.int64) if jax.config.jax_enable_x64 else jax.random.randint(ks[0], (B, TLEN), 0, V, dtype=jnp.int32)
    snippet = jax.random.randint(ks[1], (B, SLEN), 0, V, dtype=jnp.int32)
    title_table = jax.random.normal(ks[2], (V, D), dtype=jnp.float32) * 0.02
    snippet_table = jax.random.normal(ks[3], (V, D), dtype=jnp.float32) * 0.02
    W1 = jax.random.normal(ks[4], (2 * D, HID), dtype=jnp.float32) * 0.05
    b1 = jnp.zeros((HID,), dtype=jnp.float32)
    W2 = jax.random.normal(ks[5], (HID, OUT), dtype=jnp.float32) * 0.05
    b2 = jnp.zeros((OUT,), dtype=jnp.float32)
    return {
        "title": title,
        "snippet": snippet,
        "title_table": title_table,
        "snippet_table": snippet_table,
        "W1": W1,
        "b1": b1,
        "W2": W2,
        "b2": b2,
    }


def reference(title, snippet, title_table, snippet_table, W1, b1, W2, b2):
    # title_embedding(title).mean(dim=1)
    title_embedded = jnp.take(title_table, title, axis=0)  # [B, TLEN, D]
    title_embedded = jnp.mean(title_embedded, axis=1)      # [B, D]
    # snippet_embedding(snippet).mean(dim=1)
    snippet_embedded = jnp.take(snippet_table, snippet, axis=0)  # [B, SLEN, D]
    snippet_embedded = jnp.mean(snippet_embedded, axis=1)        # [B, D]
    combined = jnp.concatenate((title_embedded, snippet_embedded), axis=1)  # [B, 2D]
    out = jax.nn.relu(combined @ W1 + b1)
    out = out @ W2 + b2
    return out

if __name__ == "__main__":
    import jax
    _d = setup_inputs()
    print(jax.jit(kernel)(*tuple(_d.values())))

</pallas_src>

<mosaic_0001>
#map = affine_map<(d0, d1) -> (0, 0)>
#map1 = affine_map<(d0, d1) -> (0)>
module attributes {stable_mosaic.version = 14 : i64} {
  func.func @_flatten_body(%arg0: i32, %arg1: i32, %arg2: memref<4096x20xi32, #tpu.memory_space<hbm>>, %arg3: memref<4096x200xi32, #tpu.memory_space<hbm>>, %arg4: memref<81920xi32, #tpu.memory_space<hbm>>, %arg5: memref<819200xi32, #tpu.memory_space<hbm>>, %arg6: memref<128x20xi32, #tpu.memory_space<vmem>>, %arg7: memref<128x200xi32, #tpu.memory_space<vmem>>, %arg8: memref<2560xi32, #tpu.memory_space<vmem>>, %arg9: memref<25600xi32, #tpu.memory_space<vmem>>) attributes {dimension_semantics = [#tpu.dimension_semantics<core_parallel>, #tpu.dimension_semantics<subcore_parallel>], iteration_bounds = array<i64: 2, 16>, scalar_prefetch = 0 : i64, scratch_operands = 4 : i64, tpu.core_type = #tpu.core_type<sc_vector_subcore>, window_params = [{transform_indices = #map}, {transform_indices = #map}, {transform_indices = #map1}, {transform_indices = #map1}]} {
    %mul3A = arith.constant 2 : i32
    %mul3A_0 = arith.muli %arg1, %mul3A : i32
    %add3A = arith.addi %mul3A_0, %arg0 : i32
    %mul3A_1 = arith.constant 128 : i32
    %mul3A_2 = arith.muli %add3A, %mul3A_1 : i32
    %iota3A = tpu.iota {dimensions = array<i32: 0>} : vector<16xi32>
    "tpu.region"() ({
      %run_scoped3A = tpu.sem_alloc : memref<!tpu.dma_semaphore, #tpu.memory_space<semaphore_mem>>
      %dma_start3A = arith.constant 0 : i32
      %dma_start3A_12 = tpu.memref_slice %arg2[%mul3A_2, %dma_start3A] : memref<4096x20xi32, #tpu.memory_space<hbm>> -> memref<128x20xi32, #tpu.memory_space<hbm>>
      %dma_start3A_13 = arith.constant 0 : i32
      %dma_start3A_14 = tpu.memref_slice %arg2[%mul3A_2, %dma_start3A_13] : memref<4096x20xi32, #tpu.memory_space<hbm>> -> memref<128x20xi32, #tpu.memory_space<hbm>>
      tpu.enqueue_dma source(%dma_start3A_14 : memref<128x20xi32, #tpu.memory_space<hbm>>) target(%arg6 : memref<128x20xi32, #tpu.memory_space<vmem>>) target_semaphore(%run_scoped3A : memref<!tpu.dma_semaphore, #tpu.memory_space<semaphore_mem>>)
      %dma_wait3A = arith.constant 0 : i32
      %dma_wait3A_15 = tpu.memref_slice %arg2[%mul3A_2, %dma_wait3A] : memref<4096x20xi32, #tpu.memory_space<hbm>> -> memref<128x20xi32, #tpu.memory_space<hbm>>
      %dma_wait3A_16 = arith.constant 0 : i32
      %dma_wait3A_17 = tpu.memref_slice %arg2[%mul3A_2, %dma_wait3A_16] : memref<4096x20xi32, #tpu.memory_space<hbm>> -> memref<128x20xi32, #tpu.memory_space<hbm>>
      tpu.wait_dma2 semaphore(%run_scoped3A : memref<!tpu.dma_semaphore, #tpu.memory_space<semaphore_mem>>) src(%dma_wait3A_17 : memref<128x20xi32, #tpu.memory_space<hbm>>) dst(%arg6 : memref<128x20xi32, #tpu.memory_space<vmem>>)
      tpu.yield
    }) : () -> ()
    "tpu.region"() ({
      %run_scoped3A = tpu.sem_alloc : memref<!tpu.dma_semaphore, #tpu.memory_space<semaphore_mem>>
      %dma_start3A = arith.constant 0 : i32
      %dma_start3A_12 = tpu.memref_slice %arg3[%mul3A_2, %dma_start3A] : memref<4096x200xi32, #tpu.memory_space<hbm>> -> memref<128x200xi32, #tpu.memory_space<hbm>>
      %dma_start3A_13 = arith.constant 0 : i32
      %dma_start3A_14 = tpu.memref_slice %arg3[%mul3A_2, %dma_start3A_13] : memref<4096x200xi32, #tpu.memory_space<hbm>> -> memref<128x200xi32, #tpu.memory_space<hbm>>
      tpu.enqueue_dma source(%dma_start3A_14 : memref<128x200xi32, #tpu.memory_space<hbm>>) target(%arg7 : memref<128x200xi32, #tpu.memory_space<vmem>>) target_semaphore(%run_scoped3A : memref<!tpu.dma_semaphore, #tpu.memory_space<semaphore_mem>>)
      %dma_wait3A = arith.constant 0 : i32
      %dma_wait3A_15 = tpu.memref_slice %arg3[%mul3A_2, %dma_wait3A] : memref<4096x200xi32, #tpu.memory_space<hbm>> -> memref<128x200xi32, #tpu.memory_space<hbm>>
      %dma_wait3A_16 = arith.constant 0 : i32
      %dma_wait3A_17 = tpu.memref_slice %arg3[%mul3A_2, %dma_wait3A_16] : memref<4096x200xi32, #tpu.memory_space<hbm>> -> memref<128x200xi32, #tpu.memory_space<hbm>>
      tpu.wait_dma2 semaphore(%run_scoped3A : memref<!tpu.dma_semaphore, #tpu.memory_space<semaphore_mem>>) src(%dma_wait3A_17 : memref<128x200xi32, #tpu.memory_space<hbm>>) dst(%arg7 : memref<128x200xi32, #tpu.memory_space<vmem>>)
      tpu.yield
    }) : () -> ()
    %scan3A = arith.constant 0 : i32
    %scan3A_3 = arith.constant 0 : i32
    %scan3A_4 = arith.constant 128 : i32
    %scan3A_5 = arith.addi %scan3A_3, %scan3A_4 : i32
    %scan3A_6 = arith.constant 1 : i32
    scf.for %scan3A_12 = %scan3A_3 to %scan3A_5 step %scan3A_6  : i32 {
      %mul3A_13 = arith.constant 20 : i32
      %mul3A_14 = arith.muli %scan3A_12, %mul3A_13 : i32
      %get3A = arith.index_cast %scan3A_12 : i32 to index
      %get3A_15 = arith.constant 0 : index
      %get3A_16 = tpu.vector_load %arg6[%get3A, %get3A_15] {strides = array<i32>} : memref<128x20xi32, #tpu.memory_space<vmem>>, vector<16xi32>,
      %add3A_17 = arith.constant 0 : i32
      %add3A_18 = arith.addi %mul3A_14, %add3A_17 : i32
      %add3A_19 = vector.broadcast %add3A_18 : i32 to vector<16xi32>
      %add3A_20 = arith.addi %add3A_19, %iota3A : vector<16xi32>
      tpu.vector_store_idx %arg8[%add3A_20], %get3A_16 : memref<2560xi32, #tpu.memory_space<vmem>>[vector<16xi32>], vector<16xi32>,
      %broadcast_in_dim3A = vector.broadcast %scan3A_12 : i32 to vector<16xi32>
      %add3A_21 = arith.constant 4 : i32
      %add3A_22 = vector.broadcast %add3A_21 : i32 to vector<16xi32>
      %add3A_23 = arith.addi %add3A_22, %iota3A : vector<16xi32>
      %gather3A = tpu.vector_load_idx %arg6[%broadcast_in_dim3A, %add3A_23] : memref<128x20xi32, #tpu.memory_space<vmem>>[vector<16xi32>, vector<16xi32>], vector<16xi32>,
      %add3A_24 = arith.constant 4 : i32
      %add3A_25 = arith.addi %mul3A_14, %add3A_24 : i32
      %add3A_26 = vector.broadcast %add3A_25 : i32 to vector<16xi32>
      %add3A_27 = arith.addi %add3A_26, %iota3A : vector<16xi32>
      tpu.vector_store_idx %arg8[%add3A_27], %gather3A : memref<2560xi32, #tpu.memory_space<vmem>>[vector<16xi32>], vector<16xi32>,
      %mul3A_28 = arith.constant 200 : i32
      %mul3A_29 = arith.muli %scan3A_12, %mul3A_28 : i32
      %get3A_30 = arith.index_cast %scan3A_12 : i32 to index
      %get3A_31 = arith.constant 0 : index
      %get3A_32 = tpu.vector_load %arg7[%get3A_30, %get3A_31] {strides = array<i32>} : memref<128x200xi32, #tpu.memory_space<vmem>>, vector<16xi32>,
      %add3A_33 = arith.constant 0 : i32
      %add3A_34 = arith.addi %mul3A_29, %add3A_33 : i32
      %add3A_35 = vector.broadcast %add3A_34 : i32 to vector<16xi32>
      %add3A_36 = arith.addi %add3A_35, %iota3A : vector<16xi32>
      tpu.vector_store_idx %arg9[%add3A_36], %get3A_32 : memref<25600xi32, #tpu.memory_space<vmem>>[vector<16xi32>], vector<16xi32>,
      %get3A_37 = arith.index_cast %scan3A_12 : i32 to index
      %get3A_38 = arith.constant 16 : index
      %get3A_39 = tpu.vector_load %arg7[%get3A_37, %get3A_38] {strides = array<i32>} : memref<128x200xi32, #tpu.memory_space<vmem>>, vector<16xi32>,
      %add3A_40 = arith.constant 16 : i32
      %add3A_41 = arith.addi %mul3A_29, %add3A_40 : i32
      %add3A_42 = vector.broadcast %add3A_41 : i32 to vector<16xi32>
      %add3A_43 = arith.addi %add3A_42, %iota3A : vector<16xi32>
      tpu.vector_store_idx %arg9[%add3A_43], %get3A_39 : memref<25600xi32, #tpu.memory_space<vmem>>[vector<16xi32>], vector<16xi32>,
      %get3A_44 = arith.index_cast %scan3A_12 : i32 to index
      %get3A_45 = arith.constant 32 : index
      %get3A_46 = tpu.vector_load %arg7[%get3A_44, %get3A_45] {strides = array<i32>} : memref<128x200xi32, #tpu.memory_space<vmem>>, vector<16xi32>,
      %add3A_47 = arith.constant 32 : i32
      %add3A_48 = arith.addi %mul3A_29, %add3A_47 : i32
      %add3A_49 = vector.broadcast %add3A_48 : i32 to vector<16xi32>
      %add3A_50 = arith.addi %add3A_49, %iota3A : vector<16xi32>
      tpu.vector_store_idx %arg9[%add3A_50], %get3A_46 : memref<25600xi32, #tpu.memory_space<vmem>>[vector<16xi32>], vector<16xi32>,
      %get3A_51 = arith.index_cast %scan3A_12 : i32 to index
      %get3A_52 = arith.constant 48 : index
      %get3A_53 = tpu.vector_load %arg7[%get3A_51, %get3A_52] {strides = array<i32>} : memref<128x200xi32, #tpu.memory_space<vmem>>, vector<16xi32>,
      %add3A_54 = arith.constant 48 : i32
      %add3A_55 = arith.addi %mul3A_29, %add3A_54 : i32
      %add3A_56 = vector.broadcast %add3A_55 : i32 to vector<16xi32>
      %add3A_57 = arith.addi %add3A_56, %iota3A : vector<16xi32>
      tpu.vector_store_idx %arg9[%add3A_57], %get3A_53 : memref<25600xi32, #tpu.memory_space<vmem>>[vector<16xi32>], vector<16xi32>,
      %get3A_58 = arith.index_cast %scan3A_12 : i32 to index
      %get3A_59 = arith.constant 64 : index
      %get3A_60 = tpu.vector_load %arg7[%get3A_58, %get3A_59] {strides = array<i32>} : memref<128x200xi32, #tpu.memory_space<vmem>>, vector<16xi32>,
      %add3A_61 = arith.constant 64 : i32
      %add3A_62 = arith.addi %mul3A_29, %add3A_61 : i32
      %add3A_63 = vector.broadcast %add3A_62 : i32 to vector<16xi32>
      %add3A_64 = arith.addi %add3A_63, %iota3A : vector<16xi32>
      tpu.vector_store_idx %arg9[%add3A_64], %get3A_60 : memref<25600xi32, #tpu.memory_space<vmem>>[vector<16xi32>], vector<16xi32>,
      %get3A_65 = arith.index_cast %scan3A_12 : i32 to index
      %get3A_66 = arith.constant 80 : index
      %get3A_67 = tpu.vector_load %arg7[%get3A_65, %get3A_66] {strides = array<i32>} : memref<128x200xi32, #tpu.memory_space<vmem>>, vector<16xi32>,
      %add3A_68 = arith.constant 80 : i32
      %add3A_69 = arith.addi %mul3A_29, %add3A_68 : i32
      %add3A_70 = vector.broadcast %add3A_69 : i32 to vector<16xi32>
      %add3A_71 = arith.addi %add3A_70, %iota3A : vector<16xi32>
      tpu.vector_store_idx %arg9[%add3A_71], %get3A_67 : memref<25600xi32, #tpu.memory_space<vmem>>[vector<16xi32>], vector<16xi32>,
      %get3A_72 = arith.index_cast %scan3A_12 : i32 to index
      %get3A_73 = arith.constant 96 : index
      %get3A_74 = tpu.vector_load %arg7[%get3A_72, %get3A_73] {strides = array<i32>} : memref<128x200xi32, #tpu.memory_space<vmem>>, vector<16xi32>,
      %add3A_75 = arith.constant 96 : i32
      %add3A_76 = arith.addi %mul3A_29, %add3A_75 : i32
      %add3A_77 = vector.broadcast %add3A_76 : i32 to vector<16xi32>
      %add3A_78 = arith.addi %add3A_77, %iota3A : vector<16xi32>
      tpu.vector_store_idx %arg9[%add3A_78], %get3A_74 : memref<25600xi32, #tpu.memory_space<vmem>>[vector<16xi32>], vector<16xi32>,
      %get3A_79 = arith.index_cast %scan3A_12 : i32 to index
      %get3A_80 = arith.constant 112 : index
      %get3A_81 = tpu.vector_load %arg7[%get3A_79, %get3A_80] {strides = array<i32>} : memref<128x200xi32, #tpu.memory_space<vmem>>, vector<16xi32>,
      %add3A_82 = arith.constant 112 : i32
      %add3A_83 = arith.addi %mul3A_29, %add3A_82 : i32
      %add3A_84 = vector.broadcast %add3A_83 : i32 to vector<16xi32>
      %add3A_85 = arith.addi %add3A_84, %iota3A : vector<16xi32>
      tpu.vector_store_idx %arg9[%add3A_85], %get3A_81 : memref<25600xi32, #tpu.memory_space<vmem>>[vector<16xi32>], vector<16xi32>,
      %get3A_86 = arith.index_cast %scan3A_12 : i32 to index
      %get3A_87 = arith.constant 128 : index
      %get3A_88 = tpu.vector_load %arg7[%get3A_86, %get3A_87] {strides = array<i32>} : memref<128x200xi32, #tpu.memory_space<vmem>>, vector<16xi32>,
      %add3A_89 = arith.constant 128 : i32
      %add3A_90 = arith.addi %mul3A_29, %add3A_89 : i32
      %add3A_91 = vector.broadcast %add3A_90 : i32 to vector<16xi32>
      %add3A_92 = arith.addi %add3A_91, %iota3A : vector<16xi32>
      tpu.vector_store_idx %arg9[%add3A_92], %get3A_88 : memref<25600xi32, #tpu.memory_space<vmem>>[vector<16xi32>], vector<16xi32>,
      %get3A_93 = arith.index_cast %scan3A_12 : i32 to index
      %get3A_94 = arith.constant 144 : index
      %get3A_95 = tpu.vector_load %arg7[%get3A_93, %get3A_94] {strides = array<i32>} : memref<128x200xi32, #tpu.memory_space<vmem>>, vector<16xi32>,
      %add3A_96 = arith.constant 144 : i32
      %add3A_97 = arith.addi %mul3A_29, %add3A_96 : i32
      %add3A_98 = vector.broadcast %add3A_97 : i32 to vector<16xi32>
      %add3A_99 = arith.addi %add3A_98, %iota3A : vector<16xi32>
      tpu.vector_store_idx %arg9[%add3A_99], %get3A_95 : memref<25600xi32, #tpu.memory_space<vmem>>[vector<16xi32>], vector<16xi32>,
      %get3A_100 = arith.index_cast %scan3A_12 : i32 to index
      %get3A_101 = arith.constant 160 : index
      %get3A_102 = tpu.vector_load %arg7[%get3A_100, %get3A_101] {strides = array<i32>} : memref<128x200xi32, #tpu.memory_space<vmem>>, vector<16xi32>,
      %add3A_103 = arith.constant 160 : i32
      %add3A_104 = arith.addi %mul3A_29, %add3A_103 : i32
      %add3A_105 = vector.broadcast %add3A_104 : i32 to vector<16xi32>
      %add3A_106 = arith.addi %add3A_105, %iota3A : vector<16xi32>
      tpu.vector_store_idx %arg9[%add3A_106], %get3A_102 : memref<25600xi32, #tpu.memory_space<vmem>>[vector<16xi32>], vector<16xi32>,
      %get3A_107 = arith.index_cast %scan3A_12 : i32 to index
      %get3A_108 = arith.constant 176 : index
      %get3A_109 = tpu.vector_load %arg7[%get3A_107, %get3A_108] {strides = array<i32>} : memref<128x200xi32, #tpu.memory_space<vmem>>, vector<16xi32>,
      %add3A_110 = arith.constant 176 : i32
      %add3A_111 = arith.addi %mul3A_29, %add3A_110 : i32
      %add3A_112 = vector.broadcast %add3A_111 : i32 to vector<16xi32>
      %add3A_113 = arith.addi %add3A_112, %iota3A : vector<16xi32>
      tpu.vector_store_idx %arg9[%add3A_113], %get3A_109 : memref<25600xi32, #tpu.memory_space<vmem>>[vector<16xi32>], vector<16xi32>,
      %broadcast_in_dim3A_114 = vector.broadcast %scan3A_12 : i32 to vector<16xi32>
      %add3A_115 = arith.constant 184 : i32
      %add3A_116 = vector.broadcast %add3A_115 : i32 to vector<16xi32>
      %add3A_117 = arith.addi %add3A_116, %iota3A : vector<16xi32>
      %gather3A_118 = tpu.vector_load_idx %arg7[%broadcast_in_dim3A_114, %add3A_117] : memref<128x200xi32, #tpu.memory_space<vmem>>[vector<16xi32>, vector<16xi32>], vector<16xi32>,
      %add3A_119 = arith.constant 184 : i32
      %add3A_120 = arith.addi %mul3A_29, %add3A_119 : i32
      %add3A_121 = vector.broadcast %add3A_120 : i32 to vector<16xi32>
      %add3A_122 = arith.addi %add3A_121, %iota3A : vector<16xi32>
      tpu.vector_store_idx %arg9[%add3A_122], %gather3A_118 : memref<25600xi32, #tpu.memory_space<vmem>>[vector<16xi32>], vector<16xi32>,
    }
    %scan3A_7 = arith.constant 128 : i32
    %mul3A_8 = arith.constant 20 : i32
    %mul3A_9 = arith.muli %mul3A_2, %mul3A_8 : i32
    "tpu.region"() ({
      %run_scoped3A = tpu.sem_alloc : memref<!tpu.dma_semaphore, #tpu.memory_space<semaphore_mem>>
      %dma_start3A = tpu.memref_slice %arg4[%mul3A_9] : memref<81920xi32, #tpu.memory_space<hbm>> -> memref<2560xi32, #tpu.memory_space<hbm>>
      %dma_start3A_12 = tpu.memref_slice %arg4[%mul3A_9] : memref<81920xi32, #tpu.memory_space<hbm>> -> memref<2560xi32, #tpu.memory_space<hbm>>
      tpu.enqueue_dma source(%arg8 : memref<2560xi32, #tpu.memory_space<vmem>>) target(%dma_start3A_12 : memref<2560xi32, #tpu.memory_space<hbm>>) target_semaphore(%run_scoped3A : memref<!tpu.dma_semaphore, #tpu.memory_space<semaphore_mem>>)
      %dma_wait3A = tpu.memref_slice %arg4[%mul3A_9] : memref<81920xi32, #tpu.memory_space<hbm>> -> memref<2560xi32, #tpu.memory_space<hbm>>
      %dma_wait3A_13 = tpu.memref_slice %arg4[%mul3A_9] : memref<81920xi32, #tpu.memory_space<hbm>> -> memref<2560xi32, #tpu.memory_space<hbm>>
      tpu.wait_dma2 semaphore(%run_scoped3A : memref<!tpu.dma_semaphore, #tpu.memory_space<semaphore_mem>>) src(%arg8 : memref<2560xi32, #tpu.memory_space<vmem>>) dst(%dma_wait3A_13 : memref<2560xi32, #tpu.memory_space<hbm>>)
      tpu.yield
    }) : () -> ()
    %mul3A_10 = arith.constant 200 : i32
    %mul3A_11 = arith.muli %mul3A_2, %mul3A_10 : i32
    "tpu.region"() ({
      %run_scoped3A = tpu.sem_alloc : memref<!tpu.dma_semaphore, #tpu.memory_space<semaphore_mem>>
      %dma_start3A = tpu.memref_slice %arg5[%mul3A_11] : memref<819200xi32, #tpu.memory_space<hbm>> -> memref<25600xi32, #tpu.memory_space<hbm>>
      %dma_start3A_12 = tpu.memref_slice %arg5[%mul3A_11] : memref<819200xi32, #tpu.memory_space<hbm>> -> memref<25600xi32, #tpu.memory_space<hbm>>
      tpu.enqueue_dma source(%arg9 : memref<25600xi32, #tpu.memory_space<vmem>>) target(%dma_start3A_12 : memref<25600xi32, #tpu.memory_space<hbm>>) target_semaphore(%run_scoped3A : memref<!tpu.dma_semaphore, #tpu.memory_space<semaphore_mem>>)
      %dma_wait3A = tpu.memref_slice %arg5[%mul3A_11] : memref<819200xi32, #tpu.memory_space<hbm>> -> memref<25600xi32, #tpu.memory_space<hbm>>
      %dma_wait3A_13 = tpu.memref_slice %arg5[%mul3A_11] : memref<819200xi32, #tpu.memory_space<hbm>> -> memref<25600xi32, #tpu.memory_space<hbm>>
      tpu.wait_dma2 semaphore(%run_scoped3A : memref<!tpu.dma_semaphore, #tpu.memory_space<semaphore_mem>>) src(%arg9 : memref<25600xi32, #tpu.memory_space<vmem>>) dst(%dma_wait3A_13 : memref<25600xi32, #tpu.memory_space<hbm>>)
      tpu.yield
    }) : () -> ()
    return
  }
}

#map = affine_map<(d0, d1) -> (0)>
#map1 = affine_map<(d0, d1) -> (0, 0)>
module attributes {stable_mosaic.version = 14 : i64} {
  func.func @_pool_body(%arg0: i32, %arg1: i32, %arg2: memref<81920xi32, #tpu.memory_space<hbm>>, %arg3: memref<819200xi32, #tpu.memory_space<hbm>>, %arg4: memref<1000000x64xf32, #tpu.memory_space<hbm>>, %arg5: memref<1000000x64xf32, #tpu.memory_space<hbm>>, %arg6: memref<4096x128xf32, #tpu.memory_space<hbm>>, %arg7: memref<2560xi32, #tpu.memory_space<vmem>>, %arg8: memref<25600xi32, #tpu.memory_space<vmem>>, %arg9: memref<40x64xf32, #tpu.memory_space<vmem>>, %arg10: memref<400x64xf32, #tpu.memory_space<vmem>>, %arg11: memref<40x64xf32, #tpu.memory_space<vmem>>, %arg12: memref<400x64xf32, #tpu.memory_space<vmem>>, %arg13: memref<128x128xf32, #tpu.memory_space<vmem>>, %arg14: memref<!tpu.dma_semaphore, #tpu.memory_space<semaphore_mem>>, %arg15: memref<!tpu.dma_semaphore, #tpu.memory_space<semaphore_mem>>) attributes {dimension_semantics = [#tpu.dimension_semantics<core_parallel>, #tpu.dimension_semantics<subcore_parallel>], iteration_bounds = array<i64: 2, 16>, scalar_prefetch = 0 : i64, scratch_operands = 9 : i64, tpu.core_type = #tpu.core_type<sc_vector_subcore>, window_params = [{transform_indices = #map}, {transform_indices = #map}, {transform_indices = #map1}, {transform_indices = #map1}, {transform_indices = #map1}]} {
    %mul3A = arith.constant 2 : i32
    %mul3A_0 = arith.muli %arg1, %mul3A : i32
    %add3A = arith.addi %mul3A_0, %arg0 : i32
    %mul3A_1 = arith.constant 128 : i32
    %mul3A_2 = arith.muli %add3A, %mul3A_1 : i32
    %mul3A_3 = arith.constant 20 : i32
    %mul3A_4 = arith.muli %mul3A_2, %mul3A_3 : i32
    "tpu.region"() ({
      %run_scoped3A = tpu.sem_alloc : memref<!tpu.dma_semaphore, #tpu.memory_space<semaphore_mem>>
      %dma_start3A_21 = tpu.memref_slice %arg2[%mul3A_4] : memref<81920xi32, #tpu.memory_space<hbm>> -> memref<2560xi32, #tpu.memory_space<hbm>>
      %dma_start3A_22 = tpu.memref_slice %arg2[%mul3A_4] : memref<81920xi32, #tpu.memory_space<hbm>> -> memref<2560xi32, #tpu.memory_space<hbm>>
      tpu.enqueue_dma source(%dma_start3A_22 : memref<2560xi32, #tpu.memory_space<hbm>>) target(%arg7 : memref<2560xi32, #tpu.memory_space<vmem>>) target_semaphore(%run_scoped3A : memref<!tpu.dma_semaphore, #tpu.memory_space<semaphore_mem>>)
      %dma_wait3A = tpu.memref_slice %arg2[%mul3A_4] : memref<81920xi32, #tpu.memory_space<hbm>> -> memref<2560xi32, #tpu.memory_space<hbm>>
      %dma_wait3A_23 = tpu.memref_slice %arg2[%mul3A_4] : memref<81920xi32, #tpu.memory_space<hbm>> -> memref<2560xi32, #tpu.memory_space<hbm>>
      tpu.wait_dma2 semaphore(%run_scoped3A : memref<!tpu.dma_semaphore, #tpu.memory_space<semaphore_mem>>) src(%dma_wait3A_23 : memref<2560xi32, #tpu.memory_space<hbm>>) dst(%arg7 : memref<2560xi32, #tpu.memory_space<vmem>>)
      tpu.yield
    }) : () -> ()
    %mul3A_5 = arith.constant 200 : i32
    %mul3A_6 = arith.muli %mul3A_2, %mul3A_5 : i32
    "tpu.region"() ({
      %run_scoped3A = tpu.sem_alloc : memref<!tpu.dma_semaphore, #tpu.memory_space<semaphore_mem>>
      %dma_start3A_21 = tpu.memref_slice %arg3[%mul3A_6] : memref<819200xi32, #tpu.memory_space<hbm>> -> memref<25600xi32, #tpu.memory_space<hbm>>
      %dma_start3A_22 = tpu.memref_slice %arg3[%mul3A_6] : memref<819200xi32, #tpu.memory_space<hbm>> -> memref<25600xi32, #tpu.memory_space<hbm>>
      tpu.enqueue_dma source(%dma_start3A_22 : memref<25600xi32, #tpu.memory_space<hbm>>) target(%arg8 : memref<25600xi32, #tpu.memory_space<vmem>>) target_semaphore(%run_scoped3A : memref<!tpu.dma_semaphore, #tpu.memory_space<semaphore_mem>>)
      %dma_wait3A = tpu.memref_slice %arg3[%mul3A_6] : memref<819200xi32, #tpu.memory_space<hbm>> -> memref<25600xi32, #tpu.memory_space<hbm>>
      %dma_wait3A_23 = tpu.memref_slice %arg3[%mul3A_6] : memref<819200xi32, #tpu.memory_space<hbm>> -> memref<25600xi32, #tpu.memory_space<hbm>>
      tpu.wait_dma2 semaphore(%run_scoped3A : memref<!tpu.dma_semaphore, #tpu.memory_space<semaphore_mem>>) src(%dma_wait3A_23 : memref<25600xi32, #tpu.memory_space<hbm>>) dst(%arg8 : memref<25600xi32, #tpu.memory_space<vmem>>)
      tpu.yield
    }) : () -> ()
    %dma_start3A = arith.constant 0 : i32
    %dma_start3A_7 = tpu.memref_slice %arg7[%dma_start3A] : memref<2560xi32, #tpu.memory_space<vmem>> -> memref<40xi32, #tpu.memory_space<vmem>>
    %dma_start3A_8 = arith.constant 0 : i32
    %dma_start3A_9 = arith.constant 0 : i32
    %dma_start3A_10 = tpu.memref_slice %arg4[%dma_start3A_8, %dma_start3A_9] : memref<1000000x64xf32, #tpu.memory_space<hbm>> -> memref<1000000x64xf32, #tpu.memory_space<hbm>>
    tpu.enqueue_indirect_dma source(%dma_start3A_10 : memref<1000000x64xf32, #tpu.memory_space<hbm>>) target(%arg9 : memref<40x64xf32, #tpu.memory_space<vmem>>) offsets(%dma_start3A_7 : memref<40xi32, #tpu.memory_space<vmem>>) semaphore(%arg14 : memref<!tpu.dma_semaphore, #tpu.memory_space<semaphore_mem>>)
    %dma_start3A_11 = arith.constant 0 : i32
    %dma_start3A_12 = tpu.memref_slice %arg8[%dma_start3A_11] : memref<25600xi32, #tpu.memory_space<vmem>> -> memref<400xi32, #tpu.memory_space<vmem>>
    %dma_start3A_13 = arith.constant 0 : i32
    %dma_start3A_14 = arith.constant 0 : i32
    %dma_start3A_15 = tpu.memref_slice %arg5[%dma_start3A_13, %dma_start3A_14] : memref<1000000x64xf32, #tpu.memory_space<hbm>> -> memref<1000000x64xf32, #tpu.memory_space<hbm>>
    tpu.enqueue_indirect_dma source(%dma_start3A_15 : memref<1000000x64xf32, #tpu.memory_space<hbm>>) target(%arg10 : memref<400x64xf32, #tpu.memory_space<vmem>>) offsets(%dma_start3A_12 : memref<400xi32, #tpu.memory_space<vmem>>) semaphore(%arg14 : memref<!tpu.dma_semaphore, #tpu.memory_space<semaphore_mem>>)
    %scan3A = arith.constant 0 : i32
    %scan3A_16 = arith.constant 0 : i32
    %scan3A_17 = arith.constant 32 : i32
    %scan3A_18 = arith.addi %scan3A_16, %scan3A_17 : i32
    %scan3A_19 = arith.constant 1 : i32
    scf.for %scan3A_21 = %scan3A_16 to %scan3A_18 step %scan3A_19  : i32 {
      %mul3A_22 = arith.constant 2 : i32
      %mul3A_23 = arith.muli %scan3A_21, %mul3A_22 : i32
      %add3A_24 = arith.constant 0 : i32
      %add3A_25 = arith.addi %mul3A_23, %add3A_24 : i32
      %add3A_26 = arith.constant 1 : i32
      %add3A_27 = arith.addi %add3A_25, %add3A_26 : i32
      %lt3A = arith.constant 64 : i32
      %lt3A_28 = arith.cmpi slt, %add3A_27, %lt3A : i32
      %convert_element_type3A = arith.extui %lt3A_28 : i1 to i32
      %cond3A = arith.constant 0 : i32
      %cond3A_29 = arith.cmpi ne, %convert_element_type3A, %cond3A : i32
      scf.if %cond3A_29 {
        %add3A_398 = arith.constant 1 : i32
        %add3A_399 = arith.addi %add3A_25, %add3A_398 : i32
        %mul3A_400 = arith.constant 40 : i32
        %mul3A_401 = arith.muli %add3A_399, %mul3A_400 : i32
        %dma_start3A_402 = tpu.memref_slice %arg7[%mul3A_401] : memref<2560xi32, #tpu.memory_space<vmem>> -> memref<40xi32, #tpu.memory_space<vmem>>
        %dma_start3A_403 = arith.constant 0 : i32
        %dma_start3A_404 = arith.constant 0 : i32
        %dma_start3A_405 = tpu.memref_slice %arg4[%dma_start3A_403, %dma_start3A_404] : memref<1000000x64xf32, #tpu.memory_space<hbm>> -> memref<1000000x64xf32, #tpu.memory_space<hbm>>
        tpu.enqueue_indirect_dma source(%dma_start3A_405 : memref<1000000x64xf32, #tpu.memory_space<hbm>>) target(%arg11 : memref<40x64xf32, #tpu.memory_space<vmem>>) offsets(%dma_start3A_402 : memref<40xi32, #tpu.memory_space<vmem>>) semaphore(%arg15 : memref<!tpu.dma_semaphore, #tpu.memory_space<semaphore_mem>>)
        %mul3A_406 = arith.constant 400 : i32
        %mul3A_407 = arith.muli %add3A_399, %mul3A_406 : i32
        %dma_start3A_408 = tpu.memref_slice %arg8[%mul3A_407] : memref<25600xi32, #tpu.memory_space<vmem>> -> memref<400xi32, #tpu.memory_space<vmem>>
        %dma_start3A_409 = arith.constant 0 : i32
        %dma_start3A_410 = arith.constant 0 : i32
        %dma_start3A_411 = tpu.memref_slice %arg5[%dma_start3A_409, %dma_start3A_410] : memref<1000000x64xf32, #tpu.memory_space<hbm>> -> memref<1000000x64xf32, #tpu.memory_space<hbm>>
        tpu.enqueue_indirect_dma source(%dma_start3A_411 : memref<1000000x64xf32, #tpu.memory_space<hbm>>) target(%arg12 : memref<400x64xf32, #tpu.memory_space<vmem>>) offsets(%dma_start3A_408 : memref<400xi32, #tpu.memory_space<vmem>>) semaphore(%arg15 : memref<!tpu.dma_semaphore, #tpu.memory_space<semaphore_mem>>)
      } else {
      }
      %mul3A_30 = arith.constant 40 : i32
      %mul3A_31 = arith.muli %add3A_25, %mul3A_30 : i32
      %dma_wait3A = tpu.memref_slice %arg7[%mul3A_31] : memref<2560xi32, #tpu.memory_space<vmem>> -> memref<40xi32, #tpu.memory_space<vmem>>
      %dma_wait3A_32 = arith.constant 0 : i32
      %dma_wait3A_33 = arith.constant 0 : i32
      %dma_wait3A_34 = tpu.memref_slice %arg4[%dma_wait3A_32, %dma_wait3A_33] : memref<1000000x64xf32, #tpu.memory_space<hbm>> -> memref<1000000x64xf32, #tpu.memory_space<hbm>>
      tpu.wait_indirect_dma semaphore(%arg14 : memref<!tpu.dma_semaphore, #tpu.memory_space<semaphore_mem>>) src(%dma_wait3A_34 : memref<1000000x64xf32, #tpu.memory_space<hbm>>) dst(%arg9 : memref<40x64xf32, #tpu.memory_space<vmem>>)
      %mul3A_35 = arith.constant 400 : i32
      %mul3A_36 = arith.muli %add3A_25, %mul3A_35 : i32
      %dma_wait3A_37 = tpu.memref_slice %arg8[%mul3A_36] : memref<25600xi32, #tpu.memory_space<vmem>> -> memref<400xi32, #tpu.memory_space<vmem>>
      %dma_wait3A_38 = arith.constant 0 : i32
      %dma_wait3A_39 = arith.constant 0 : i32
      %dma_wait3A_40 = tpu.memref_slice %arg5[%dma_wait3A_38, %dma_wait3A_39] : memref<1000000x64xf32, #tpu.memory_space<hbm>> -> memref<1000000x64xf32, #tpu.memory_space<hbm>>
      tpu.wait_indirect_dma semaphore(%arg14 : memref<!tpu.dma_semaphore, #tpu.memory_space<semaphore_mem>>) src(%dma_wait3A_40 : memref<1000000x64xf32, #tpu.memory_space<hbm>>) dst(%arg10 : memref<400x64xf32, #tpu.memory_space<vmem>>)
      %broadcast_in_dim3A = arith.constant 0.000000e+00 : f32
      %broadcast_in_dim3A_41 = vector.broadcast %broadcast_in_dim3A : f32 to vector<16xf32>
      %broadcast_in_dim3A_42 = arith.constant 0.000000e+00 : f32
      %broadcast_in_dim3A_43 = vector.broadcast %broadcast_in_dim3A_42 : f32 to vector<16xf32>
      %broadcast_in_dim3A_44 = arith.constant 0.000000e+00 : f32
      %broadcast_in_dim3A_45 = vector.broadcast %broadcast_in_dim3A_44 : f32 to vector<16xf32>
      %broadcast_in_dim3A_46 = arith.constant 0.000000e+00 : f32
      %broadcast_in_dim3A_47 = vector.broadcast %broadcast_in_dim3A_46 : f32 to vector<16xf32>
      %mul3A_48 = arith.constant 2 : i32
      %mul3A_49 = arith.muli %add3A_25, %mul3A_48 : i32
      %add3A_50 = arith.constant 0 : i32
      %add3A_51 = arith.addi %mul3A_49, %add3A_50 : i32
      %scan3A_52 = arith.constant 0 : i32
      %scan3A_53 = arith.constant 10 : i32
      %scan3A_54 = arith.addi %scan3A_52, %scan3A_53 : i32
      %scan3A_55 = arith.constant 1 : i32
      %scan3A_56:4 = scf.for %scan3A_398 = %scan3A_52 to %scan3A_54 step %scan3A_55 iter_args(%scan3A_399 = %broadcast_in_dim3A_41, %scan3A_400 = %broadcast_in_dim3A_43, %scan3A_401 = %broadcast_in_dim3A_45, %scan3A_402 = %broadcast_in_dim3A_47) -> (vector<16xf32>, vector<16xf32>, vector<16xf32>, vector<16xf32>)  : i32 {
        %mul3A_403 = arith.constant 2 : i32
        %mul3A_404 = arith.muli %mul3A_403, %scan3A_398 : i32
        %add3A_405 = arith.constant 0 : i32
        %add3A_406 = arith.addi %add3A_405, %mul3A_404 : i32
        %get3A = arith.index_cast %add3A_406 : i32 to index
        %get3A_407 = arith.constant 0 : index
        %get3A_408 = tpu.vector_load %arg9[%get3A, %get3A_407] {strides = array<i32>} : memref<40x64xf32, #tpu.memory_space<vmem>>, vector<1x16xf32>,
        %get3A_409 = vector.shape_cast %get3A_408 : vector<1x16xf32> to vector<16xf32>
        %add3A_410 = arith.addf %scan3A_399, %get3A_409 : vector<16xf32>
        %add3A_411 = arith.constant 1 : i32
        %add3A_412 = arith.addi %add3A_406, %add3A_411 : i32
        %get3A_413 = arith.index_cast %add3A_412 : i32 to index
        %get3A_414 = arith.constant 0 : index
        %get3A_415 = tpu.vector_load %arg9[%get3A_413, %get3A_414] {strides = array<i32>} : memref<40x64xf32, #tpu.memory_space<vmem>>, vector<1x16xf32>,
        %get3A_416 = vector.shape_cast %get3A_415 : vector<1x16xf32> to vector<16xf32>
        %add3A_417 = arith.addf %add3A_410, %get3A_416 : vector<16xf32>
        %get3A_418 = arith.index_cast %add3A_406 : i32 to index
        %get3A_419 = arith.constant 16 : index
        %get3A_420 = tpu.vector_load %arg9[%get3A_418, %get3A_419] {strides = array<i32>} : memref<40x64xf32, #tpu.memory_space<vmem>>, vector<1x16xf32>,
        %get3A_421 = vector.shape_cast %get3A_420 : vector<1x16xf32> to vector<16xf32>
        %add3A_422 = arith.addf %scan3A_400, %get3A_421 : vector<16xf32>
        %add3A_423 = arith.constant 1 : i32
        %add3A_424 = arith.addi %add3A_406, %add3A_423 : i32
        %get3A_425 = arith.index_cast %add3A_424 : i32 to index
        %get3A_426 = arith.constant 16 : index
        %get3A_427 = tpu.vector_load %arg9[%get3A_425, %get3A_426] {strides = array<i32>} : memref<40x64xf32, #tpu.memory_space<vmem>>, vector<1x16xf32>,
        %get3A_428 = vector.shape_cast %get3A_427 : vector<1x16xf32> to vector<16xf32>
        %add3A_429 = arith.addf %add3A_422, %get3A_428 : vector<16xf32>
        %get3A_430 = arith.index_cast %add3A_406 : i32 to index
        %get3A_431 = arith.constant 32 : index
        %get3A_432 = tpu.vector_load %arg9[%get3A_430, %get3A_431] {strides = array<i32>} : memref<40x64xf32, #tpu.memory_space<vmem>>, vector<1x16xf32>,
        %get3A_433 = vector.shape_cast %get3A_432 : vector<1x16xf32> to vector<16xf32>
        %add3A_434 = arith.addf %scan3A_401, %get3A_433 : vector<16xf32>
        %add3A_435 = arith.constant 1 : i32
        %add3A_436 = arith.addi %add3A_406, %add3A_435 : i32
        %get3A_437 = arith.index_cast %add3A_436 : i32 to index
        %get3A_438 = arith.constant 32 : index
        %get3A_439 = tpu.vector_load %arg9[%get3A_437, %get3A_438] {strides = array<i32>} : memref<40x64xf32, #tpu.memory_space<vmem>>, vector<1x16xf32>,
        %get3A_440 = vector.shape_cast %get3A_439 : vector<1x16xf32> to vector<16xf32>
        %add3A_441 = arith.addf %add3A_434, %get3A_440 : vector<16xf32>
        %get3A_442 = arith.index_cast %add3A_406 : i32 to index
        %get3A_443 = arith.constant 48 : index
        %get3A_444 = tpu.vector_load %arg9[%get3A_442, %get3A_443] {strides = array<i32>} : memref<40x64xf32, #tpu.memory_space<vmem>>, vector<1x16xf32>,
        %get3A_445 = vector.shape_cast %get3A_444 : vector<1x16xf32> to vector<16xf32>
        %add3A_446 = arith.addf %scan3A_402, %get3A_445 : vector<16xf32>
        %add3A_447 = arith.constant 1 : i32
        %add3A_448 = arith.addi %add3A_406, %add3A_447 : i32
        %get3A_449 = arith.index_cast %add3A_448 : i32 to index
        %get3A_450 = arith.constant 48 : index
        %get3A_451 = tpu.vector_load %arg9[%get3A_449, %get3A_450] {strides = array<i32>} : memref<40x64xf32, #tpu.memory_space<vmem>>, vector<1x16xf32>,
        %get3A_452 = vector.shape_cast %get3A_451 : vector<1x16xf32> to vector<16xf32>
        %add3A_453 = arith.addf %add3A_446, %get3A_452 : vector<16xf32>
        scf.yield %add3A_417, %add3A_429, %add3A_441, %add3A_453 : vector<16xf32>, vector<16xf32>, vector<16xf32>, vector<16xf32>
      }
      %scan3A_57 = arith.constant 10 : i32
      %mul3A_58 = arith.constant 5.000000e-02 : f32
      %mul3A_59 = vector.broadcast %mul3A_58 : f32 to vector<16xf32>
      %mul3A_60 = arith.mulf %scan3A_56#0, %mul3A_59 : vector<16xf32>
      %swap3A = arith.index_cast %add3A_51 : i32 to index
      %swap3A_61 = arith.constant 0 : index
      %swap3A_62 = tpu.vector_load %arg13[%swap3A, %swap3A_61] {strides = array<i32>} : memref<128x128xf32, #tpu.memory_space<vmem>>, vector<1x16xf32>,
      %swap3A_63 = vector.shape_cast %swap3A_62 : vector<1x16xf32> to vector<16xf32>
      %swap3A_64 = vector.shape_cast %mul3A_60 : vector<16xf32> to vector<1x16xf32>
      tpu.vector_store %arg13[%swap3A, %swap3A_61], %swap3A_64 {strides = array<i32>} : memref<128x128xf32, #tpu.memory_space<vmem>>, vector<1x16xf32>,
      %mul3A_65 = arith.constant 5.000000e-02 : f32
      %mul3A_66 = vector.broadcast %mul3A_65 : f32 to vector<16xf32>
      %mul3A_67 = arith.mulf %scan3A_56#1, %mul3A_66 : vector<16xf32>
      %swap3A_68 = arith.index_cast %add3A_51 : i32 to index
      %swap3A_69 = arith.constant 16 : index
      %swap3A_70 = tpu.vector_load %arg13[%swap3A_68, %swap3A_69] {strides = array<i32>} : memref<128x128xf32, #tpu.memory_space<vmem>>, vector<1x16xf32>,
      %swap3A_71 = vector.shape_cast %swap3A_70 : vector<1x16xf32> to vector<16xf32>
      %swap3A_72 = vector.shape_cast %mul3A_67 : vector<16xf32> to vector<1x16xf32>
      tpu.vector_store %arg13[%swap3A_68, %swap3A_69], %swap3A_72 {strides = array<i32>} : memref<128x128xf32, #tpu.memory_space<vmem>>, vector<1x16xf32>,
      %mul3A_73 = arith.constant 5.000000e-02 : f32
      %mul3A_74 = vector.broadcast %mul3A_73 : f32 to vector<16xf32>
      %mul3A_75 = arith.mulf %scan3A_56#2, %mul3A_74 : vector<16xf32>
      %swap3A_76 = arith.index_cast %add3A_51 : i32 to index
      %swap3A_77 = arith.constant 32 : index
      %swap3A_78 = tpu.vector_load %arg13[%swap3A_76, %swap3A_77] {strides = array<i32>} : memref<128x128xf32, #tpu.memory_space<vmem>>, vector<1x16xf32>,
      %swap3A_79 = vector.shape_cast %swap3A_78 : vector<1x16xf32> to vector<16xf32>
      %swap3A_80 = vector.shape_cast %mul3A_75 : vector<16xf32> to vector<1x16xf32>
      tpu.vector_store %arg13[%swap3A_76, %swap3A_77], %swap3A_80 {strides = array<i32>} : memref<128x128xf32, #tpu.memory_space<vmem>>, vector<1x16xf32>,
      %mul3A_81 = arith.constant 5.000000e-02 : f32
      %mul3A_82 = vector.broadcast %mul3A_81 : f32 to vector<16xf32>
      %mul3A_83 = arith.mulf %scan3A_56#3, %mul3A_82 : vector<16xf32>
      %swap3A_84 = arith.index_cast %add3A_51 : i32 to index
      %swap3A_85 = arith.constant 48 : index
      %swap3A_86 = tpu.vector_load %arg13[%swap3A_84, %swap3A_85] {strides = array<i32>} : memref<128x128xf32, #tpu.memory_space<vmem>>, vector<1x16xf32>,
      %swap3A_87 = vector.shape_cast %swap3A_86 : vector<1x16xf32> to vector<16xf32>
      %swap3A_88 = vector.shape_cast %mul3A_83 : vector<16xf32> to vector<1x16xf32>
      tpu.vector_store %arg13[%swap3A_84, %swap3A_85], %swap3A_88 {strides = array<i32>} : memref<128x128xf32, #tpu.memory_space<vmem>>, vector<1x16xf32>,
      %scan3A_89 = arith.constant 0 : i32
      %scan3A_90 = arith.constant 100 : i32
      %scan3A_91 = arith.addi %scan3A_89, %scan3A_90 : i32
      %scan3A_92 = arith.constant 1 : i32
      %scan3A_93:4 = scf.for %scan3A_398 = %scan3A_89 to %scan3A_91 step %scan3A_92 iter_args(%scan3A_399 = %broadcast_in_dim3A_41, %scan3A_400 = %broadcast_in_dim3A_43, %scan3A_401 = %broadcast_in_dim3A_45, %scan3A_402 = %broadcast_in_dim3A_47) -> (vector<16xf32>, vector<16xf32>, vector<16xf32>, vector<16xf32>)  : i32 {
        %mul3A_403 = arith.constant 2 : i32
        %mul3A_404 = arith.muli %mul3A_403, %scan3A_398 : i32
        %add3A_405 = arith.constant 0 : i32
        %add3A_406 = arith.addi %add3A_405, %mul3A_404 : i32
        %get3A = arith.index_cast %add3A_406 : i32 to index
        %get3A_407 = arith.constant 0 : index
        %get3A_408 = tpu.vector_load %arg10[%get3A, %get3A_407] {strides = array<i32>} : memref<400x64xf32, #tpu.memory_space<vmem>>, vector<1x16xf32>,
        %get3A_409 = vector.shape_cast %get3A_408 : vector<1x16xf32> to vector<16xf32>
        %add3A_410 = arith.addf %scan3A_399, %get3A_409 : vector<16xf32>
        %add3A_411 = arith.constant 1 : i32
        %add3A_412 = arith.addi %add3A_406, %add3A_411 : i32
        %get3A_413 = arith.index_cast %add3A_412 : i32 to index
        %get3A_414 = arith.constant 0 : index
        %get3A_415 = tpu.vector_load %arg10[%get3A_413, %get3A_414] {strides = array<i32>} : memref<400x64xf32, #tpu.memory_space<vmem>>, vector<1x16xf32>,
        %get3A_416 = vector.shape_cast %get3A_415 : vector<1x16xf32> to vector<16xf32>
        %add3A_417 = arith.addf %add3A_410, %get3A_416 : vector<16xf32>
        %get3A_418 = arith.index_cast %add3A_406 : i32 to index
        %get3A_419 = arith.constant 16 : index
        %get3A_420 = tpu.vector_load %arg10[%get3A_418, %get3A_419] {strides = array<i32>} : memref<400x64xf32, #tpu.memory_space<vmem>>, vector<1x16xf32>,
        %get3A_421 = vector.shape_cast %get3A_420 : vector<1x16xf32> to vector<16xf32>
        %add3A_422 = arith.addf %scan3A_400, %get3A_421 : vector<16xf32>
        %add3A_423 = arith.constant 1 : i32
        %add3A_424 = arith.addi %add3A_406, %add3A_423 : i32
        %get3A_425 = arith.index_cast %add3A_424 : i32 to index
        %get3A_426 = arith.constant 16 : index
        %get3A_427 = tpu.vector_load %arg10[%get3A_425, %get3A_426] {strides = array<i32>} : memref<400x64xf32, #tpu.memory_space<vmem>>, vector<1x16xf32>,
        %get3A_428 = vector.shape_cast %get3A_427 : vector<1x16xf32> to vector<16xf32>
        %add3A_429 = arith.addf %add3A_422, %get3A_428 : vector<16xf32>
        %get3A_430 = arith.index_cast %add3A_406 : i32 to index
        %get3A_431 = arith.constant 32 : index
        %get3A_432 = tpu.vector_load %arg10[%get3A_430, %get3A_431] {strides = array<i32>} : memref<400x64xf32, #tpu.memory_space<vmem>>, vector<1x16xf32>,
        %get3A_433 = vector.shape_cast %get3A_432 : vector<1x16xf32> to vector<16xf32>
        %add3A_434 = arith.addf %scan3A_401, %get3A_433 : vector<16xf32>
        %add3A_435 = arith.constant 1 : i32
        %add3A_436 = arith.addi %add3A_406, %add3A_435 : i32
        %get3A_437 = arith.index_cast %add3A_436 : i32 to index
        %get3A_438 = arith.constant 32 : index
        %get3A_439 = tpu.vector_load %arg10[%get3A_437, %get3A_438] {strides = array<i32>} : memref<400x64xf32, #tpu.memory_space<vmem>>, vector<1x16xf32>,
        %get3A_440 = vector.shape_cast %get3A_439 : vector<1x16xf32> to vector<16xf32>
        %add3A_441 = arith.addf %add3A_434, %get3A_440 : vector<16xf32>
        %get3A_442 = arith.index_cast %add3A_406 : i32 to index
        %get3A_443 = arith.constant 48 : index
        %get3A_444 = tpu.vector_load %arg10[%get3A_442, %get3A_443] {strides = array<i32>} : memref<400x64xf32, #tpu.memory_space<vmem>>, vector<1x16xf32>,
        %get3A_445 = vector.shape_cast %get3A_444 : vector<1x16xf32> to vector<16xf32>
        %add3A_446 = arith.addf %scan3A_402, %get3A_445 : vector<16xf32>
        %add3A_447 = arith.constant 1 : i32
        %add3A_448 = arith.addi %add3A_406, %add3A_447 : i32
        %get3A_449 = arith.index_cast %add3A_448 : i32 to index
        %get3A_450 = arith.constant 48 : index
        %get3A_451 = tpu.vector_load %arg10[%get3A_449, %get3A_450] {strides = array<i32>} : memref<400x64xf32, #tpu.memory_space<vmem>>, vector<1x16xf32>,
        %get3A_452 = vector.shape_cast %get3A_451 : vector<1x16xf32> to vector<16xf32>
        %add3A_453 = arith.addf %add3A_446, %get3A_452 : vector<16xf32>
        scf.yield %add3A_417, %add3A_429, %add3A_441, %add3A_453 : vector<16xf32>, vector<16xf32>, vector<16xf32>, vector<16xf32>
      }
      %scan3A_94 = arith.constant 100 : i32
      %mul3A_95 = arith.constant 5.000000e-03 : f32
      %mul3A_96 = vector.broadcast %mul3A_95 : f32 to vector<16xf32>
      %mul3A_97 = arith.mulf %scan3A_93#0, %mul3A_96 : vector<16xf32>
      %swap3A_98 = arith.index_cast %add3A_51 : i32 to index
      %swap3A_99 = arith.constant 64 : index
      %swap3A_100 = tpu.vector_load %arg13[%swap3A_98, %swap3A_99] {strides = array<i32>} : memref<128x128xf32, #tpu.memory_space<vmem>>, vector<1x16xf32>,
      %swap3A_101 = vector.shape_cast %swap3A_100 : vector<1x16xf32> to vector<16xf32>
      %swap3A_102 = vector.shape_cast %mul3A_97 : vector<16xf32> to vector<1x16xf32>
      tpu.vector_store %arg13[%swap3A_98, %swap3A_99], %swap3A_102 {strides = array<i32>} : memref<128x128xf32, #tpu.memory_space<vmem>>, vector<1x16xf32>,
      %mul3A_103 = arith.constant 5.000000e-03 : f32
      %mul3A_104 = vector.broadcast %mul3A_103 : f32 to vector<16xf32>
      %mul3A_105 = arith.mulf %scan3A_93#1, %mul3A_104 : vector<16xf32>
      %swap3A_106 = arith.index_cast %add3A_51 : i32 to index
      %swap3A_107 = arith.constant 80 : index
      %swap3A_108 = tpu.vector_load %arg13[%swap3A_106, %swap3A_107] {strides = array<i32>} : memref<128x128xf32, #tpu.memory_space<vmem>>, vector<1x16xf32>,
      %swap3A_109 = vector.shape_cast %swap3A_108 : vector<1x16xf32> to vector<16xf32>
      %swap3A_110 = vector.shape_cast %mul3A_105 : vector<16xf32> to vector<1x16xf32>
      tpu.vector_store %arg13[%swap3A_106, %swap3A_107], %swap3A_110 {strides = array<i32>} : memref<128x128xf32, #tpu.memory_space<vmem>>, vector<1x16xf32>,
      %mul3A_111 = arith.constant 5.000000e-03 : f32
      %mul3A_112 = vector.broadcast %mul3A_111 : f32 to vector<16xf32>
      %mul3A_113 = arith.mulf %scan3A_93#2, %mul3A_112 : vector<16xf32>
      %swap3A_114 = arith.index_cast %add3A_51 : i32 to index
      %swap3A_115 = arith.constant 96 : index
      %swap3A_116 = tpu.vector_load %arg13[%swap3A_114, %swap3A_115] {strides = array<i32>} : memref<128x128xf32, #tpu.memory_space<vmem>>, vector<1x16xf32>,
      %swap3A_117 = vector.shape_cast %swap3A_116 : vector<1x16xf32> to vector<16xf32>
      %swap3A_118 = vector.shape_cast %mul3A_113 : vector<16xf32> to vector<1x16xf32>
      tpu.vector_store %arg13[%swap3A_114, %swap3A_115], %swap3A_118 {strides = array<i32>} : memref<128x128xf32, #tpu.memory_space<vmem>>, vector<1x16xf32>,
      %mul3A_119 = arith.constant 5.000000e-03 : f32
      %mul3A_120 = vector.broadcast %mul3A_119 : f32 to vector<16xf32>
      %mul3A_121 = arith.mulf %scan3A_93#3, %mul3A_120 : vector<16xf32>
      %swap3A_122 = arith.index_cast %add3A_51 : i32 to index
      %swap3A_123 = arith.constant 112 : index
      %swap3A_124 = tpu.vector_load %arg13[%swap3A_122, %swap3A_123] {strides = array<i32>} : memref<128x128xf32, #tpu.memory_space<vmem>>, vector<1x16xf32>,
      %swap3A_125 = vector.shape_cast %swap3A_124 : vector<1x16xf32> to vector<16xf32>
      %swap3A_126 = vector.shape_cast %mul3A_121 : vector<16xf32> to vector<1x16xf32>
      tpu.vector_store %arg13[%swap3A_122, %swap3A_123], %swap3A_126 {strides = array<i32>} : memref<128x128xf32, #tpu.memory_space<vmem>>, vector<1x16xf32>,
      %mul3A_127 = arith.constant 2 : i32
      %mul3A_128 = arith.muli %add3A_25, %mul3A_127 : i32
      %add3A_129 = arith.constant 1 : i32
      %add3A_130 = arith.addi %mul3A_128, %add3A_129 : i32
      %scan3A_131 = arith.constant 0 : i32
      %scan3A_132 = arith.constant 10 : i32
      %scan3A_133 = arith.addi %scan3A_131, %scan3A_132 : i32
      %scan3A_134 = arith.constant 1 : i32
      %scan3A_135:4 = scf.for %scan3A_398 = %scan3A_131 to %scan3A_133 step %scan3A_134 iter_args(%scan3A_399 = %broadcast_in_dim3A_41, %scan3A_400 = %broadcast_in_dim3A_43, %scan3A_401 = %broadcast_in_dim3A_45, %scan3A_402 = %broadcast_in_dim3A_47) -> (vector<16xf32>, vector<16xf32>, vector<16xf32>, vector<16xf32>)  : i32 {
        %mul3A_403 = arith.constant 2 : i32
        %mul3A_404 = arith.muli %mul3A_403, %scan3A_398 : i32
        %add3A_405 = arith.constant 20 : i32
        %add3A_406 = arith.addi %add3A_405, %mul3A_404 : i32
        %get3A = arith.index_cast %add3A_406 : i32 to index
        %get3A_407 = arith.constant 0 : index
        %get3A_408 = tpu.vector_load %arg9[%get3A, %get3A_407] {strides = array<i32>} : memref<40x64xf32, #tpu.memory_space<vmem>>, vector<1x16xf32>,
        %get3A_409 = vector.shape_cast %get3A_408 : vector<1x16xf32> to vector<16xf32>
        %add3A_410 = arith.addf %scan3A_399, %get3A_409 : vector<16xf32>
        %add3A_411 = arith.constant 1 : i32
        %add3A_412 = arith.addi %add3A_406, %add3A_411 : i32
        %get3A_413 = arith.index_cast %add3A_412 : i32 to index
        %get3A_414 = arith.constant 0 : index
        %get3A_415 = tpu.vector_load %arg9[%get3A_413, %get3A_414] {strides = array<i32>} : memref<40x64xf32, #tpu.memory_space<vmem>>, vector<1x16xf32>,
        %get3A_416 = vector.shape_cast %get3A_415 : vector<1x16xf32> to vector<16xf32>
        %add3A_417 = arith.addf %add3A_410, %get3A_416 : vector<16xf32>
        %get3A_418 = arith.index_cast %add3A_406 : i32 to index
        %get3A_419 = arith.constant 16 : index
        %get3A_420 = tpu.vector_load %arg9[%get3A_418, %get3A_419] {strides = array<i32>} : memref<40x64xf32, #tpu.memory_space<vmem>>, vector<1x16xf32>,
        %get3A_421 = vector.shape_cast %get3A_420 : vector<1x16xf32> to vector<16xf32>
        %add3A_422 = arith.addf %scan3A_400, %get3A_421 : vector<16xf32>
        %add3A_423 = arith.constant 1 : i32
        %add3A_424 = arith.addi %add3A_406, %add3A_423 : i32
        %get3A_425 = arith.index_cast %add3A_424 : i32 to index
        %get3A_426 = arith.constant 16 : index
        %get3A_427 = tpu.vector_load %arg9[%get3A_425, %get3A_426] {strides = array<i32>} : memref<40x64xf32, #tpu.memory_space<vmem>>, vector<1x16xf32>,
        %get3A_428 = vector.shape_cast %get3A_427 : vector<1x16xf32> to vector<16xf32>
        %add3A_429 = arith.addf %add3A_422, %get3A_428 : vector<16xf32>
        %get3A_430 = arith.index_cast %add3A_406 : i32 to index
        %get3A_431 = arith.constant 32 : index
        %get3A_432 = tpu.vector_load %arg9[%get3A_430, %get3A_431] {strides = array<i32>} : memref<40x64xf32, #tpu.memory_space<vmem>>, vector<1x16xf32>,
        %get3A_433 = vector.shape_cast %get3A_432 : vector<1x16xf32> to vector<16xf32>
        %add3A_434 = arith.addf %scan3A_401, %get3A_433 : vector<16xf32>
        %add3A_435 = arith.constant 1 : i32
        %add3A_436 = arith.addi %add3A_406, %add3A_435 : i32
        %get3A_437 = arith.index_cast %add3A_436 : i32 to index
        %get3A_438 = arith.constant 32 : index
        %get3A_439 = tpu.vector_load %arg9[%get3A_437, %get3A_438] {strides = array<i32>} : memref<40x64xf32, #tpu.memory_space<vmem>>, vector<1x16xf32>,
        %get3A_440 = vector.shape_cast %get3A_439 : vector<1x16xf32> to vector<16xf32>
        %add3A_441 = arith.addf %add3A_434, %get3A_440 : vector<16xf32>
        %get3A_442 = arith.index_cast %add3A_406 : i32 to index
        %get3A_443 = arith.constant 48 : index
        %get3A_444 = tpu.vector_load %arg9[%get3A_442, %get3A_443] {strides = array<i32>} : memref<40x64xf32, #tpu.memory_space<vmem>>, vector<1x16xf32>,
        %get3A_445 = vector.shape_cast %get3A_444 : vector<1x16xf32> to vector<16xf32>
        %add3A_446 = arith.addf %scan3A_402, %get3A_445 : vector<16xf32>
        %add3A_447 = arith.constant 1 : i32
        %add3A_448 = arith.addi %add3A_406, %add3A_447 : i32
        %get3A_449 = arith.index_cast %add3A_448 : i32 to index
        %get3A_450 = arith.constant 48 : index
        %get3A_451 = tpu.vector_load %arg9[%get3A_449, %get3A_450] {strides = array<i32>} : memref<40x64xf32, #tpu.memory_space<vmem>>, vector<1x16xf32>,
        %get3A_452 = vector.shape_cast %get3A_451 : vector<1x16xf32> to vector<16xf32>
        %add3A_453 = arith.addf %add3A_446, %get3A_452 : vector<16xf32>
        scf.yield %add3A_417, %add3A_429, %add3A_441, %add3A_453 : vector<16xf32>, vector<16xf32>, vector<16xf32>, vector<16xf32>
      }
      %scan3A_136 = arith.constant 10 : i32
      %mul3A_137 = arith.constant 5.000000e-02 : f32
      %mul3A_138 = vector.broadcast %mul3A_137 : f32 to vector<16xf32>
      %mul3A_139 = arith.mulf %scan3A_135#0, %mul3A_138 : vector<16xf32>
      %swap3A_140 = arith.index_cast %add3A_130 : i32 to index
      %swap3A_141 = arith.constant 0 : index
      %swap3A_142 = tpu.vector_load %arg13[%swap3A_140, %swap3A_141] {strides = array<i32>} : memref<128x128xf32, #tpu.memory_space<vmem>>, vector<1x16xf32>,
      %swap3A_143 = vector.shape_cast %swap3A_142 : vector<1x16xf32> to vector<16xf32>
      %swap3A_144 = vector.shape_cast %mul3A_139 : vector<16xf32> to vector<1x16xf32>
      tpu.vector_store %arg13[%swap3A_140, %swap3A_141], %swap3A_144 {strides = array<i32>} : memref<128x128xf32, #tpu.memory_space<vmem>>, vector<1x16xf32>,
      %mul3A_145 = arith.constant 5.000000e-02 : f32
      %mul3A_146 = vector.broadcast %mul3A_145 : f32 to vector<16xf32>
      %mul3A_147 = arith.mulf %scan3A_135#1, %mul3A_146 : vector<16xf32>
      %swap3A_148 = arith.index_cast %add3A_130 : i32 to index
      %swap3A_149 = arith.constant 16 : index
      %swap3A_150 = tpu.vector_load %arg13[%swap3A_148, %swap3A_149] {strides = array<i32>} : memref<128x128xf32, #tpu.memory_space<vmem>>, vector<1x16xf32>,
      %swap3A_151 = vector.shape_cast %swap3A_150 : vector<1x16xf32> to vector<16xf32>
      %swap3A_152 = vector.shape_cast %mul3A_147 : vector<16xf32> to vector<1x16xf32>
      tpu.vector_store %arg13[%swap3A_148, %swap3A_149], %swap3A_152 {strides = array<i32>} : memref<128x128xf32, #tpu.memory_space<vmem>>, vector<1x16xf32>,
      %mul3A_153 = arith.constant 5.000000e-02 : f32
      %mul3A_154 = vector.broadcast %mul3A_153 : f32 to vector<16xf32>
      %mul3A_155 = arith.mulf %scan3A_135#2, %mul3A_154 : vector<16xf32>
      %swap3A_156 = arith.index_cast %add3A_130 : i32 to index
      %swap3A_157 = arith.constant 32 : index
      %swap3A_158 = tpu.vector_load %arg13[%swap3A_156, %swap3A_157] {strides = array<i32>} : memref<128x128xf32, #tpu.memory_space<vmem>>, vector<1x16xf32>,
      %swap3A_159 = vector.shape_cast %swap3A_158 : vector<1x16xf32> to vector<16xf32>
      %swap3A_160 = vector.shape_cast %mul3A_155 : vector<16xf32> to vector<1x16xf32>
      tpu.vector_store %arg13[%swap3A_156, %swap3A_157], %swap3A_160 {strides = array<i32>} : memref<128x128xf32, #tpu.memory_space<vmem>>, vector<1x16xf32>,
      %mul3A_161 = arith.constant 5.000000e-02 : f32
      %mul3A_162 = vector.broadcast %mul3A_161 : f32 to vector<16xf32>
      %mul3A_163 = arith.mulf %scan3A_135#3, %mul3A_162 : vector<16xf32>
      %swap3A_164 = arith.index_cast %add3A_130 : i32 to index
      %swap3A_165 = arith.constant 48 : index
      %swap3A_166 = tpu.vector_load %arg13[%swap3A_164, %swap3A_165] {strides = array<i32>} : memref<128x128xf32, #tpu.memory_space<vmem>>, vector<1x16xf32>,
      %swap3A_167 = vector.shape_cast %swap3A_166 : vector<1x16xf32> to vector<16xf32>
      %swap3A_168 = vector.shape_cast %mul3A_163 : vector<16xf32> to vector<1x16xf32>
      tpu.vector_store %arg13[%swap3A_164, %swap3A_165], %swap3A_168 {strides = array<i32>} : memref<128x128xf32, #tpu.memory_space<vmem>>, vector<1x16xf32>,
      %scan3A_169 = arith.constant 0 : i32
      %scan3A_170 = arith.constant 100 : i32
      %scan3A_171 = arith.addi %scan3A_169, %scan3A_170 : i32
      %scan3A_172 = arith.constant 1 : i32
      %scan3A_173:4 = scf.for %scan3A_398 = %scan3A_169 to %scan3A_171 step %scan3A_172 iter_args(%scan3A_399 = %broadcast_in_dim3A_41, %scan3A_400 = %broadcast_in_dim3A_43, %scan3A_401 = %broadcast_in_dim3A_45, %scan3A_402 = %broadcast_in_dim3A_47) -> (vector<16xf32>, vector<16xf32>, vector<16xf32>, vector<16xf32>)  : i32 {
        %mul3A_403 = arith.constant 2 : i32
        %mul3A_404 = arith.muli %mul3A_403, %scan3A_398 : i32
        %add3A_405 = arith.constant 200 : i32
        %add3A_406 = arith.addi %add3A_405, %mul3A_404 : i32
        %get3A = arith.index_cast %add3A_406 : i32 to index
        %get3A_407 = arith.constant 0 : index
        %get3A_408 = tpu.vector_load %arg10[%get3A, %get3A_407] {strides = array<i32>} : memref<400x64xf32, #tpu.memory_space<vmem>>, vector<1x16xf32>,
        %get3A_409 = vector.shape_cast %get3A_408 : vector<1x16xf32> to vector<16xf32>
        %add3A_410 = arith.addf %scan3A_399, %get3A_409 : vector<16xf32>
        %add3A_411 = arith.constant 1 : i32
        %add3A_412 = arith.addi %add3A_406, %add3A_411 : i32
        %get3A_413 = arith.index_cast %add3A_412 : i32 to index
        %get3A_414 = arith.constant 0 : index
        %get3A_415 = tpu.vector_load %arg10[%get3A_413, %get3A_414] {strides = array<i32>} : memref<400x64xf32, #tpu.memory_space<vmem>>, vector<1x16xf32>,
        %get3A_416 = vector.shape_cast %get3A_415 : vector<1x16xf32> to vector<16xf32>
        %add3A_417 = arith.addf %add3A_410, %get3A_416 : vector<16xf32>
        %get3A_418 = arith.index_cast %add3A_406 : i32 to index
        %get3A_419 = arith.constant 16 : index
        %get3A_420 = tpu.vector_load %arg10[%get3A_418, %get3A_419] {strides = array<i32>} : memref<400x64xf32, #tpu.memory_space<vmem>>, vector<1x16xf32>,
        %get3A_421 = vector.shape_cast %get3A_420 : vector<1x16xf32> to vector<16xf32>
        %add3A_422 = arith.addf %scan3A_400, %get3A_421 : vector<16xf32>
        %add3A_423 = arith.constant 1 : i32
        %add3A_424 = arith.addi %add3A_406, %add3A_423 : i32
        %get3A_425 = arith.index_cast %add3A_424 : i32 to index
        %get3A_426 = arith.constant 16 : index
        %get3A_427 = tpu.vector_load %arg10[%get3A_425, %get3A_426] {strides = array<i32>} : memref<400x64xf32, #tpu.memory_space<vmem>>, vector<1x16xf32>,
        %get3A_428 = vector.shape_cast %get3A_427 : vector<1x16xf32> to vector<16xf32>
        %add3A_429 = arith.addf %add3A_422, %get3A_428 : vector<16xf32>
        %get3A_430 = arith.index_cast %add3A_406 : i32 to index
        %get3A_431 = arith.constant 32 : index
        %get3A_432 = tpu.vector_load %arg10[%get3A_430, %get3A_431] {strides = array<i32>} : memref<400x64xf32, #tpu.memory_space<vmem>>, vector<1x16xf32>,
        %get3A_433 = vector.shape_cast %get3A_432 : vector<1x16xf32> to vector<16xf32>
        %add3A_434 = arith.addf %scan3A_401, %get3A_433 : vector<16xf32>
        %add3A_435 = arith.constant 1 : i32
        %add3A_436 = arith.addi %add3A_406, %add3A_435 : i32
        %get3A_437 = arith.index_cast %add3A_436 : i32 to index
        %get3A_438 = arith.constant 32 : index
        %get3A_439 = tpu.vector_load %arg10[%get3A_437, %get3A_438] {strides = array<i32>} : memref<400x64xf32, #tpu.memory_space<vmem>>, vector<1x16xf32>,
        %get3A_440 = vector.shape_cast %get3A_439 : vector<1x16xf32> to vector<16xf32>
        %add3A_441 = arith.addf %add3A_434, %get3A_440 : vector<16xf32>
        %get3A_442 = arith.index_cast %add3A_406 : i32 to index
        %get3A_443 = arith.constant 48 : index
        %get3A_444 = tpu.vector_load %arg10[%get3A_442, %get3A_443] {strides = array<i32>} : memref<400x64xf32, #tpu.memory_space<vmem>>, vector<1x16xf32>,
        %get3A_445 = vector.shape_cast %get3A_444 : vector<1x16xf32> to vector<16xf32>
        %add3A_446 = arith.addf %scan3A_402, %get3A_445 : vector<16xf32>
        %add3A_447 = arith.constant 1 : i32
        %add3A_448 = arith.addi %add3A_406, %add3A_447 : i32
        %get3A_449 = arith.index_cast %add3A_448 : i32 to index
        %get3A_450 = arith.constant 48 : index
        %get3A_451 = tpu.vector_load %arg10[%get3A_449, %get3A_450] {strides = array<i32>} : memref<400x64xf32, #tpu.memory_space<vmem>>, vector<1x16xf32>,
        %get3A_452 = vector.shape_cast %get3A_451 : vector<1x16xf32> to vector<16xf32>
        %add3A_453 = arith.addf %add3A_446, %get3A_452 : vector<16xf32>
        scf.yield %add3A_417, %add3A_429, %add3A_441, %add3A_453 : vector<16xf32>, vector<16xf32>, vector<16xf32>, vector<16xf32>
      }
      %scan3A_174 = arith.constant 100 : i32
      %mul3A_175 = arith.constant 5.000000e-03 : f32
      %mul3A_176 = vector.broadcast %mul3A_175 : f32 to vector<16xf32>
      %mul3A_177 = arith.mulf %scan3A_173#0, %mul3A_176 : vector<16xf32>
      %swap3A_178 = arith.index_cast %add3A_130 : i32 to index
      %swap3A_179 = arith.constant 64 : index
      %swap3A_180 = tpu.vector_load %arg13[%swap3A_178, %swap3A_179] {strides = array<i32>} : memref<128x128xf32, #tpu.memory_space<vmem>>, vector<1x16xf32>,
      %swap3A_181 = vector.shape_cast %swap3A_180 : vector<1x16xf32> to vector<16xf32>
      %swap3A_182 = vector.shape_cast %mul3A_177 : vector<16xf32> to vector<1x16xf32>
      tpu.vector_store %arg13[%swap3A_178, %swap3A_179], %swap3A_182 {strides = array<i32>} : memref<128x128xf32, #tpu.memory_space<vmem>>, vector<1x16xf32>,
      %mul3A_183 = arith.constant 5.000000e-03 : f32
      %mul3A_184 = vector.broadcast %mul3A_183 : f32 to vector<16xf32>
      %mul3A_185 = arith.mulf %scan3A_173#1, %mul3A_184 : vector<16xf32>
      %swap3A_186 = arith.index_cast %add3A_130 : i32 to index
      %swap3A_187 = arith.constant 80 : index
      %swap3A_188 = tpu.vector_load %arg13[%swap3A_186, %swap3A_187] {strides = array<i32>} : memref<128x128xf32, #tpu.memory_space<vmem>>, vector<1x16xf32>,
      %swap3A_189 = vector.shape_cast %swap3A_188 : vector<1x16xf32> to vector<16xf32>
      %swap3A_190 = vector.shape_cast %mul3A_185 : vector<16xf32> to vector<1x16xf32>
      tpu.vector_store %arg13[%swap3A_186, %swap3A_187], %swap3A_190 {strides = array<i32>} : memref<128x128xf32, #tpu.memory_space<vmem>>, vector<1x16xf32>,
      %mul3A_191 = arith.constant 5.000000e-03 : f32
      %mul3A_192 = vector.broadcast %mul3A_191 : f32 to vector<16xf32>
      %mul3A_193 = arith.mulf %scan3A_173#2, %mul3A_192 : vector<16xf32>
      %swap3A_194 = arith.index_cast %add3A_130 : i32 to index
      %swap3A_195 = arith.constant 96 : index
      %swap3A_196 = tpu.vector_load %arg13[%swap3A_194, %swap3A_195] {strides = array<i32>} : memref<128x128xf32, #tpu.memory_space<vmem>>, vector<1x16xf32>,
      %swap3A_197 = vector.shape_cast %swap3A_196 : vector<1x16xf32> to vector<16xf32>
      %swap3A_198 = vector.shape_cast %mul3A_193 : vector<16xf32> to vector<1x16xf32>
      tpu.vector_store %arg13[%swap3A_194, %swap3A_195], %swap3A_198 {strides = array<i32>} : memref<128x128xf32, #tpu.memory_space<vmem>>, vector<1x16xf32>,
      %mul3A_199 = arith.constant 5.000000e-03 : f32
      %mul3A_200 = vector.broadcast %mul3A_199 : f32 to vector<16xf32>
      %mul3A_201 = arith.mulf %scan3A_173#3, %mul3A_200 : vector<16xf32>
      %swap3A_202 = arith.index_cast %add3A_130 : i32 to index
      %swap3A_203 = arith.constant 112 : index
      %swap3A_204 = tpu.vector_load %arg13[%swap3A_202, %swap3A_203] {strides = array<i32>} : memref<128x128xf32, #tpu.memory_space<vmem>>, vector<1x16xf32>,
      %swap3A_205 = vector.shape_cast %swap3A_204 : vector<1x16xf32> to vector<16xf32>
      %swap3A_206 = vector.shape_cast %mul3A_201 : vector<16xf32> to vector<1x16xf32>
      tpu.vector_store %arg13[%swap3A_202, %swap3A_203], %swap3A_206 {strides = array<i32>} : memref<128x128xf32, #tpu.memory_space<vmem>>, vector<1x16xf32>,
      %mul3A_207 = arith.constant 2 : i32
      %mul3A_208 = arith.muli %scan3A_21, %mul3A_207 : i32
      %add3A_209 = arith.constant 1 : i32
      %add3A_210 = arith.addi %mul3A_208, %add3A_209 : i32
      %add3A_211 = arith.constant 1 : i32
      %add3A_212 = arith.addi %add3A_210, %add3A_211 : i32
      %lt3A_213 = arith.constant 64 : i32
      %lt3A_214 = arith.cmpi slt, %add3A_212, %lt3A_213 : i32
      %convert_element_type3A_215 = arith.extui %lt3A_214 : i1 to i32
      %cond3A_216 = arith.constant 0 : i32
      %cond3A_217 = arith.cmpi ne, %convert_element_type3A_215, %cond3A_216 : i32
      scf.if %cond3A_217 {
        %add3A_398 = arith.constant 1 : i32
        %add3A_399 = arith.addi %add3A_210, %add3A_398 : i32
        %mul3A_400 = arith.constant 40 : i32
        %mul3A_401 = arith.muli %add3A_399, %mul3A_400 : i32
        %dma_start3A_402 = tpu.memref_slice %arg7[%mul3A_401] : memref<2560xi32, #tpu.memory_space<vmem>> -> memref<40xi32, #tpu.memory_space<vmem>>
        %dma_start3A_403 = arith.constant 0 : i32
        %dma_start3A_404 = arith.constant 0 : i32
        %dma_start3A_405 = tpu.memref_slice %arg4[%dma_start3A_403, %dma_start3A_404] : memref<1000000x64xf32, #tpu.memory_space<hbm>> -> memref<1000000x64xf32, #tpu.memory_space<hbm>>
        tpu.enqueue_indirect_dma source(%dma_start3A_405 : memref<1000000x64xf32, #tpu.memory_space<hbm>>) target(%arg9 : memref<40x64xf32, #tpu.memory_space<vmem>>) offsets(%dma_start3A_402 : memref<40xi32, #tpu.memory_space<vmem>>) semaphore(%arg14 : memref<!tpu.dma_semaphore, #tpu.memory_space<semaphore_mem>>)
        %mul3A_406 = arith.constant 400 : i32
        %mul3A_407 = arith.muli %add3A_399, %mul3A_406 : i32
        %dma_start3A_408 = tpu.memref_slice %arg8[%mul3A_407] : memref<25600xi32, #tpu.memory_space<vmem>> -> memref<400xi32, #tpu.memory_space<vmem>>
        %dma_start3A_409 = arith.constant 0 : i32
        %dma_start3A_410 = arith.constant 0 : i32
        %dma_start3A_411 = tpu.memref_slice %arg5[%dma_start3A_409, %dma_start3A_410] : memref<1000000x64xf32, #tpu.memory_space<hbm>> -> memref<1000000x64xf32, #tpu.memory_space<hbm>>
        tpu.enqueue_indirect_dma source(%dma_start3A_411 : memref<1000000x64xf32, #tpu.memory_space<hbm>>) target(%arg10 : memref<400x64xf32, #tpu.memory_space<vmem>>) offsets(%dma_start3A_408 : memref<400xi32, #tpu.memory_space<vmem>>) semaphore(%arg14 : memref<!tpu.dma_semaphore, #tpu.memory_space<semaphore_mem>>)
      } else {
      }
      %mul3A_218 = arith.constant 40 : i32
      %mul3A_219 = arith.muli %add3A_210, %mul3A_218 : i32
      %dma_wait3A_220 = tpu.memref_slice %arg7[%mul3A_219] : memref<2560xi32, #tpu.memory_space<vmem>> -> memref<40xi32, #tpu.memory_space<vmem>>
      %dma_wait3A_221 = arith.constant 0 : i32
      %dma_wait3A_222 = arith.constant 0 : i32
      %dma_wait3A_223 = tpu.memref_slice %arg4[%dma_wait3A_221, %dma_wait3A_222] : memref<1000000x64xf32, #tpu.memory_space<hbm>> -> memref<1000000x64xf32, #tpu.memory_space<hbm>>
      tpu.wait_indirect_dma semaphore(%arg15 : memref<!tpu.dma_semaphore, #tpu.memory_space<semaphore_mem>>) src(%dma_wait3A_223 : memref<1000000x64xf32, #tpu.memory_space<hbm>>) dst(%arg11 : memref<40x64xf32, #tpu.memory_space<vmem>>)
      %mul3A_224 = arith.constant 400 : i32
      %mul3A_225 = arith.muli %add3A_210, %mul3A_224 : i32
      %dma_wait3A_226 = tpu.memref_slice %arg8[%mul3A_225] : memref<25600xi32, #tpu.memory_space<vmem>> -> memref<400xi32, #tpu.memory_space<vmem>>
      %dma_wait3A_227 = arith.constant 0 : i32
      %dma_wait3A_228 = arith.constant 0 : i32
      %dma_wait3A_229 = tpu.memref_slice %arg5[%dma_wait3A_227, %dma_wait3A_228] : memref<1000000x64xf32, #tpu.memory_space<hbm>> -> memref<1000000x64xf32, #tpu.memory_space<hbm>>
      tpu.wait_indirect_dma semaphore(%arg15 : memref<!tpu.dma_semaphore, #tpu.memory_space<semaphore_mem>>) src(%dma_wait3A_229 : memref<1000000x64xf32, #tpu.memory_space<hbm>>) dst(%arg12 : memref<400x64xf32, #tpu.memory_space<vmem>>)
      %broadcast_in_dim3A_230 = arith.constant 0.000000e+00 : f32
      %broadcast_in_dim3A_231 = vector.broadcast %broadcast_in_dim3A_230 : f32 to vector<16xf32>
      %broadcast_in_dim3A_232 = arith.constant 0.000000e+00 : f32
      %broadcast_in_dim3A_233 = vector.broadcast %broadcast_in_dim3A_232 : f32 to vector<16xf32>
      %broadcast_in_dim3A_234 = arith.constant 0.000000e+00 : f32
      %broadcast_in_dim3A_235 = vector.broadcast %broadcast_in_dim3A_234 : f32 to vector<16xf32>
      %broadcast_in_dim3A_236 = arith.constant 0.000000e+00 : f32
      %broadcast_in_dim3A_237 = vector.broadcast %broadcast_in_dim3A_236 : f32 to vector<16xf32>
      %mul3A_238 = arith.constant 2 : i32
      %mul3A_239 = arith.muli %add3A_210, %mul3A_238 : i32
      %add3A_240 = arith.constant 0 : i32
      %add3A_241 = arith.addi %mul3A_239, %add3A_240 : i32
      %scan3A_242 = arith.constant 0 : i32
      %scan3A_243 = arith.constant 10 : i32
      %scan3A_244 = arith.addi %scan3A_242, %scan3A_243 : i32
      %scan3A_245 = arith.constant 1 : i32
      %scan3A_246:4 = scf.for %scan3A_398 = %scan3A_242 to %scan3A_244 step %scan3A_245 iter_args(%scan3A_399 = %broadcast_in_dim3A_231, %scan3A_400 = %broadcast_in_dim3A_233, %scan3A_401 = %broadcast_in_dim3A_235, %scan3A_402 = %broadcast_in_dim3A_237) -> (vector<16xf32>, vector<16xf32>, vector<16xf32>, vector<16xf32>)  : i32 {
        %mul3A_403 = arith.constant 2 : i32
        %mul3A_404 = arith.muli %mul3A_403, %scan3A_398 : i32
        %add3A_405 = arith.constant 0 : i32
        %add3A_406 = arith.addi %add3A_405, %mul3A_404 : i32
        %get3A = arith.index_cast %add3A_406 : i32 to index
        %get3A_407 = arith.constant 0 : index
        %get3A_408 = tpu.vector_load %arg11[%get3A, %get3A_407] {strides = array<i32>} : memref<40x64xf32, #tpu.memory_space<vmem>>, vector<1x16xf32>,
        %get3A_409 = vector.shape_cast %get3A_408 : vector<1x16xf32> to vector<16xf32>
        %add3A_410 = arith.addf %scan3A_399, %get3A_409 : vector<16xf32>
        %add3A_411 = arith.constant 1 : i32
        %add3A_412 = arith.addi %add3A_406, %add3A_411 : i32
        %get3A_413 = arith.index_cast %add3A_412 : i32 to index
        %get3A_414 = arith.constant 0 : index
        %get3A_415 = tpu.vector_load %arg11[%get3A_413, %get3A_414] {strides = array<i32>} : memref<40x64xf32, #tpu.memory_space<vmem>>, vector<1x16xf32>,
        %get3A_416 = vector.shape_cast %get3A_415 : vector<1x16xf32> to vector<16xf32>
        %add3A_417 = arith.addf %add3A_410, %get3A_416 : vector<16xf32>
        %get3A_418 = arith.index_cast %add3A_406 : i32 to index
        %get3A_419 = arith.constant 16 : index
        %get3A_420 = tpu.vector_load %arg11[%get3A_418, %get3A_419] {strides = array<i32>} : memref<40x64xf32, #tpu.memory_space<vmem>>, vector<1x16xf32>,
        %get3A_421 = vector.shape_cast %get3A_420 : vector<1x16xf32> to vector<16xf32>
        %add3A_422 = arith.addf %scan3A_400, %get3A_421 : vector<16xf32>
        %add3A_423 = arith.constant 1 : i32
        %add3A_424 = arith.addi %add3A_406, %add3A_423 : i32
        %get3A_425 = arith.index_cast %add3A_424 : i32 to index
        %get3A_426 = arith.constant 16 : index
        %get3A_427 = tpu.vector_load %arg11[%get3A_425, %get3A_426] {strides = array<i32>} : memref<40x64xf32, #tpu.memory_space<vmem>>, vector<1x16xf32>,
        %get3A_428 = vector.shape_cast %get3A_427 : vector<1x16xf32> to vector<16xf32>
        %add3A_429 = arith.addf %add3A_422, %get3A_428 : vector<16xf32>
        %get3A_430 = arith.index_cast %add3A_406 : i32 to index
        %get3A_431 = arith.constant 32 : index
        %get3A_432 = tpu.vector_load %arg11[%get3A_430, %get3A_431] {strides = array<i32>} : memref<40x64xf32, #tpu.memory_space<vmem>>, vector<1x16xf32>,
        %get3A_433 = vector.shape_cast %get3A_432 : vector<1x16xf32> to vector<16xf32>
        %add3A_434 = arith.addf %scan3A_401, %get3A_433 : vector<16xf32>
        %add3A_435 = arith.constant 1 : i32
        %add3A_436 = arith.addi %add3A_406, %add3A_435 : i32
        %get3A_437 = arith.index_cast %add3A_436 : i32 to index
        %get3A_438 = arith.constant 32 : index
        %get3A_439 = tpu.vector_load %arg11[%get3A_437, %get3A_438] {strides = array<i32>} : memref<40x64xf32, #tpu.memory_space<vmem>>, vector<1x16xf32>,
        %get3A_440 = vector.shape_cast %get3A_439 : vector<1x16xf32> to vector<16xf32>
        %add3A_441 = arith.addf %add3A_434, %get3A_440 : vector<16xf32>
        %get3A_442 = arith.index_cast %add3A_406 : i32 to index
        %get3A_443 = arith.constant 48 : index
        %get3A_444 = tpu.vector_load %arg11[%get3A_442, %get3A_443] {strides = array<i32>} : memref<40x64xf32, #tpu.memory_space<vmem>>, vector<1x16xf32>,
        %get3A_445 = vector.shape_cast %get3A_444 : vector<1x16xf32> to vector<16xf32>
        %add3A_446 = arith.addf %scan3A_402, %get3A_445 : vector<16xf32>
        %add3A_447 = arith.constant 1 : i32
        %add3A_448 = arith.addi %add3A_406, %add3A_447 : i32
        %get3A_449 = arith.index_cast %add3A_448 : i32 to index
        %get3A_450 = arith.constant 48 : index
        %get3A_451 = tpu.vector_load %arg11[%get3A_449, %get3A_450] {strides = array<i32>} : memref<40x64xf32, #tpu.memory_space<vmem>>, vector<1x16xf32>,
        %get3A_452 = vector.shape_cast %get3A_451 : vector<1x16xf32> to vector<16xf32>
        %add3A_453 = arith.addf %add3A_446, %get3A_452 : vector<16xf32>
        scf.yield %add3A_417, %add3A_429, %add3A_441, %add3A_453 : vector<16xf32>, vector<16xf32>, vector<16xf32>, vector<16xf32>
      }
      %scan3A_247 = arith.constant 10 : i32
      %mul3A_248 = arith.constant 5.000000e-02 : f32
      %mul3A_249 = vector.broadcast %mul3A_248 : f32 to vector<16xf32>
      %mul3A_250 = arith.mulf %scan3A_246#0, %mul3A_249 : vector<16xf32>
      %swap3A_251 = arith.index_cast %add3A_241 : i32 to index
      %swap3A_252 = arith.constant 0 : index
      %swap3A_253 = tpu.vector_load %arg13[%swap3A_251, %swap3A_252] {strides = array<i32>} : memref<128x128xf32, #tpu.memory_space<vmem>>, vector<1x16xf32>,
      %swap3A_254 = vector.shape_cast %swap3A_253 : vector<1x16xf32> to vector<16xf32>
      %swap3A_255 = vector.shape_cast %mul3A_250 : vector<16xf32> to vector<1x16xf32>
      tpu.vector_store %arg13[%swap3A_251, %swap3A_252], %swap3A_255 {strides = array<i32>} : memref<128x128xf32, #tpu.memory_space<vmem>>, vector<1x16xf32>,
      %mul3A_256 = arith.constant 5.000000e-02 : f32
      %mul3A_257 = vector.broadcast %mul3A_256 : f32 to vector<16xf32>
      %mul3A_258 = arith.mulf %scan3A_246#1, %mul3A_257 : vector<16xf32>
      %swap3A_259 = arith.index_cast %add3A_241 : i32 to index
      %swap3A_260 = arith.constant 16 : index
      %swap3A_261 = tpu.vector_load %arg13[%swap3A_259, %swap3A_260] {strides = array<i32>} : memref<128x128xf32, #tpu.memory_space<vmem>>, vector<1x16xf32>,
      %swap3A_262 = vector.shape_cast %swap3A_261 : vector<1x16xf32> to vector<16xf32>
      %swap3A_263 = vector.shape_cast %mul3A_258 : vector<16xf32> to vector<1x16xf32>
      tpu.vector_store %arg13[%swap3A_259, %swap3A_260], %swap3A_263 {strides = array<i32>} : memref<128x128xf32, #tpu.memory_space<vmem>>, vector<1x16xf32>,
      %mul3A_264 = arith.constant 5.000000e-02 : f32
      %mul3A_265 = vector.broadcast %mul3A_264 : f32 to vector<16xf32>
      %mul3A_266 = arith.mulf %scan3A_246#2, %mul3A_265 : vector<16xf32>
      %swap3A_267 = arith.index_cast %add3A_241 : i32 to index
      %swap3A_268 = arith.constant 32 : index
      %swap3A_269 = tpu.vector_load %arg13[%swap3A_267, %swap3A_268] {strides = array<i32>} : memref<128x128xf32, #tpu.memory_space<vmem>>, vector<1x16xf32>,
      %swap3A_270 = vector.shape_cast %swap3A_269 : vector<1x16xf32> to vector<16xf32>
      %swap3A_271 = vector.shape_cast %mul3A_266 : vector<16xf32> to vector<1x16xf32>
      tpu.vector_store %arg13[%swap3A_267, %swap3A_268], %swap3A_271 {strides = array<i32>} : memref<128x128xf32, #tpu.memory_space<vmem>>, vector<1x16xf32>,
      %mul3A_272 = arith.constant 5.000000e-02 : f32
      %mul3A_273 = vector.broadcast %mul3A_272 : f32 to vector<16xf32>
      %mul3A_274 = arith.mulf %scan3A_246#3, %mul3A_273 : vector<16xf32>
      %swap3A_275 = arith.index_cast %add3A_241 : i32 to index
      %swap3A_276 = arith.constant 48 : index
      %swap3A_277 = tpu.vector_load %arg13[%swap3A_275, %swap3A_276] {strides = array<i32>} : memref<128x128xf32, #tpu.memory_space<vmem>>, vector<1x16xf32>,
      %swap3A_278 = vector.shape_cast %swap3A_277 : vector<1x16xf32> to vector<16xf32>
      %swap3A_279 = vector.shape_cast %mul3A_274 : vector<16xf32> to vector<1x16xf32>
      tpu.vector_store %arg13[%swap3A_275, %swap3A_276], %swap3A_279 {strides = array<i32>} : memref<128x128xf32, #tpu.memory_space<vmem>>, vector<1x16xf32>,
      %scan3A_280 = arith.constant 0 : i32
      %scan3A_281 = arith.constant 100 : i32
      %scan3A_282 = arith.addi %scan3A_280, %scan3A_281 : i32
      %scan3A_283 = arith.constant 1 : i32
      %scan3A_284:4 = scf.for %scan3A_398 = %scan3A_280 to %scan3A_282 step %scan3A_283 iter_args(%scan3A_399 = %broadcast_in_dim3A_231, %scan3A_400 = %broadcast_in_dim3A_233, %scan3A_401 = %broadcast_in_dim3A_235, %scan3A_402 = %broadcast_in_dim3A_237) -> (vector<16xf32>, vector<16xf32>, vector<16xf32>, vector<16xf32>)  : i32 {
        %mul3A_403 = arith.constant 2 : i32
        %mul3A_404 = arith.muli %mul3A_403, %scan3A_398 : i32
        %add3A_405 = arith.constant 0 : i32
        %add3A_406 = arith.addi %add3A_405, %mul3A_404 : i32
        %get3A = arith.index_cast %add3A_406 : i32 to index
        %get3A_407 = arith.constant 0 : index
        %get3A_408 = tpu.vector_load %arg12[%get3A, %get3A_407] {strides = array<i32>} : memref<400x64xf32, #tpu.memory_space<vmem>>, vector<1x16xf32>,
        %get3A_409 = vector.shape_cast %get3A_408 : vector<1x16xf32> to vector<16xf32>
        %add3A_410 = arith.addf %scan3A_399, %get3A_409 : vector<16xf32>
        %add3A_411 = arith.constant 1 : i32
        %add3A_412 = arith.addi %add3A_406, %add3A_411 : i32
        %get3A_413 = arith.index_cast %add3A_412 : i32 to index
        %get3A_414 = arith.constant 0 : index
        %get3A_415 = tpu.vector_load %arg12[%get3A_413, %get3A_414] {strides = array<i32>} : memref<400x64xf32, #tpu.memory_space<vmem>>, vector<1x16xf32>,
        %get3A_416 = vector.shape_cast %get3A_415 : vector<1x16xf32> to vector<16xf32>
        %add3A_417 = arith.addf %add3A_410, %get3A_416 : vector<16xf32>
        %get3A_418 = arith.index_cast %add3A_406 : i32 to index
        %get3A_419 = arith.constant 16 : index
        %get3A_420 = tpu.vector_load %arg12[%get3A_418, %get3A_419] {strides = array<i32>} : memref<400x64xf32, #tpu.memory_space<vmem>>, vector<1x16xf32>,
        %get3A_421 = vector.shape_cast %get3A_420 : vector<1x16xf32> to vector<16xf32>
        %add3A_422 = arith.addf %scan3A_400, %get3A_421 : vector<16xf32>
        %add3A_423 = arith.constant 1 : i32
        %add3A_424 = arith.addi %add3A_406, %add3A_423 : i32
        %get3A_425 = arith.index_cast %add3A_424 : i32 to index
        %get3A_426 = arith.constant 16 : index
        %get3A_427 = tpu.vector_load %arg12[%get3A_425, %get3A_426] {strides = array<i32>} : memref<400x64xf32, #tpu.memory_space<vmem>>, vector<1x16xf32>,
        %get3A_428 = vector.shape_cast %get3A_427 : vector<1x16xf32> to vector<16xf32>
        %add3A_429 = arith.addf %add3A_422, %get3A_428 : vector<16xf32>
        %get3A_430 = arith.index_cast %add3A_406 : i32 to index
        %get3A_431 = arith.constant 32 : index
        %get3A_432 = tpu.vector_load %arg12[%get3A_430, %get3A_431] {strides = array<i32>} : memref<400x64xf32, #tpu.memory_space<vmem>>, vector<1x16xf32>,
        %get3A_433 = vector.shape_cast %get3A_432 : vector<1x16xf32> to vector<16xf32>
        %add3A_434 = arith.addf %scan3A_401, %get3A_433 : vector<16xf32>
        %add3A_435 = arith.constant 1 : i32
        %add3A_436 = arith.addi %add3A_406, %add3A_435 : i32
        %get3A_437 = arith.index_cast %add3A_436 : i32 to index
        %get3A_438 = arith.constant 32 : index
        %get3A_439 = tpu.vector_load %arg12[%get3A_437, %get3A_438] {strides = array<i32>} : memref<400x64xf32, #tpu.memory_space<vmem>>, vector<1x16xf32>,
        %get3A_440 = vector.shape_cast %get3A_439 : vector<1x16xf32> to vector<16xf32>
        %add3A_441 = arith.addf %add3A_434, %get3A_440 : vector<16xf32>
        %get3A_442 = arith.index_cast %add3A_406 : i32 to index
        %get3A_443 = arith.constant 48 : index
        %get3A_444 = tpu.vector_load %arg12[%get3A_442, %get3A_443] {strides = array<i32>} : memref<400x64xf32, #tpu.memory_space<vmem>>, vector<1x16xf32>,
        %get3A_445 = vector.shape_cast %get3A_444 : vector<1x16xf32> to vector<16xf32>
        %add3A_446 = arith.addf %scan3A_402, %get3A_445 : vector<16xf32>
        %add3A_447 = arith.constant 1 : i32
        %add3A_448 = arith.addi %add3A_406, %add3A_447 : i32
        %get3A_449 = arith.index_cast %add3A_448 : i32 to index
        %get3A_450 = arith.constant 48 : index
        %get3A_451 = tpu.vector_load %arg12[%get3A_449, %get3A_450] {strides = array<i32>} : memref<400x64xf32, #tpu.memory_space<vmem>>, vector<1x16xf32>,
        %get3A_452 = vector.shape_cast %get3A_451 : vector<1x16xf32> to vector<16xf32>
        %add3A_453 = arith.addf %add3A_446, %get3A_452 : vector<16xf32>
        scf.yield %add3A_417, %add3A_429, %add3A_441, %add3A_453 : vector<16xf32>, vector<16xf32>, vector<16xf32>, vector<16xf32>
      }
      %scan3A_285 = arith.constant 100 : i32
      %mul3A_286 = arith.constant 5.000000e-03 : f32
      %mul3A_287 = vector.broadcast %mul3A_286 : f32 to vector<16xf32>
      %mul3A_288 = arith.mulf %scan3A_284#0, %mul3A_287 : vector<16xf32>
      %swap3A_289 = arith.index_cast %add3A_241 : i32 to index
      %swap3A_290 = arith.constant 64 : index
      %swap3A_291 = tpu.vector_load %arg13[%swap3A_289, %swap3A_290] {strides = array<i32>} : memref<128x128xf32, #tpu.memory_space<vmem>>, vector<1x16xf32>,
      %swap3A_292 = vector.shape_cast %swap3A_291 : vector<1x16xf32> to vector<16xf32>
      %swap3A_293 = vector.shape_cast %mul3A_288 : vector<16xf32> to vector<1x16xf32>
      tpu.vector_store %arg13[%swap3A_289, %swap3A_290], %swap3A_293 {strides = array<i32>} : memref<128x128xf32, #tpu.memory_space<vmem>>, vector<1x16xf32>,
      %mul3A_294 = arith.constant 5.000000e-03 : f32
      %mul3A_295 = vector.broadcast %mul3A_294 : f32 to vector<16xf32>
      %mul3A_296 = arith.mulf %scan3A_284#1, %mul3A_295 : vector<16xf32>
      %swap3A_297 = arith.index_cast %add3A_241 : i32 to index
      %swap3A_298 = arith.constant 80 : index
      %swap3A_299 = tpu.vector_load %arg13[%swap3A_297, %swap3A_298] {strides = array<i32>} : memref<128x128xf32, #tpu.memory_space<vmem>>, vector<1x16xf32>,
      %swap3A_300 = vector.shape_cast %swap3A_299 : vector<1x16xf32> to vector<16xf32>
      %swap3A_301 = vector.shape_cast %mul3A_296 : vector<16xf32> to vector<1x16xf32>
      tpu.vector_store %arg13[%swap3A_297, %swap3A_298], %swap3A_301 {strides = array<i32>} : memref<128x128xf32, #tpu.memory_space<vmem>>, vector<1x16xf32>,
      %mul3A_302 = arith.constant 5.000000e-03 : f32
      %mul3A_303 = vector.broadcast %mul3A_302 : f32 to vector<16xf32>
      %mul3A_304 = arith.mulf %scan3A_284#2, %mul3A_303 : vector<16xf32>
      %swap3A_305 = arith.index_cast %add3A_241 : i32 to index
      %swap3A_306 = arith.constant 96 : index
      %swap3A_307 = tpu.vector_load %arg13[%swap3A_305, %swap3A_306] {strides = array<i32>} : memref<128x128xf32, #tpu.memory_space<vmem>>, vector<1x16xf32>,
      %swap3A_308 = vector.shape_cast %swap3A_307 : vector<1x16xf32> to vector<16xf32>
      %swap3A_309 = vector.shape_cast %mul3A_304 : vector<16xf32> to vector<1x16xf32>
      tpu.vector_store %arg13[%swap3A_305, %swap3A_306], %swap3A_309 {strides = array<i32>} : memref<128x128xf32, #tpu.memory_space<vmem>>, vector<1x16xf32>,
      %mul3A_310 = arith.constant 5.000000e-03 : f32
      %mul3A_311 = vector.broadcast %mul3A_310 : f32 to vector<16xf32>
      %mul3A_312 = arith.mulf %scan3A_284#3, %mul3A_311 : vector<16xf32>
      %swap3A_313 = arith.index_cast %add3A_241 : i32 to index
      %swap3A_314 = arith.constant 112 : index
      %swap3A_315 = tpu.vector_load %arg13[%swap3A_313, %swap3A_314] {strides = array<i32>} : memref<128x128xf32, #tpu.memory_space<vmem>>, vector<1x16xf32>,
      %swap3A_316 = vector.shape_cast %swap3A_315 : vector<1x16xf32> to vector<16xf32>
      %swap3A_317 = vector.shape_cast %mul3A_312 : vector<16xf32> to vector<1x16xf32>
      tpu.vector_store %arg13[%swap3A_313, %swap3A_314], %swap3A_317 {strides = array<i32>} : memref<128x128xf32, #tpu.memory_space<vmem>>, vector<1x16xf32>,
      %mul3A_318 = arith.constant 2 : i32
      %mul3A_319 = arith.muli %add3A_210, %mul3A_318 : i32
      %add3A_320 = arith.constant 1 : i32
      %add3A_321 = arith.addi %mul3A_319, %add3A_320 : i32
      %scan3A_322 = arith.constant 0 : i32
      %scan3A_323 = arith.constant 10 : i32
      %scan3A_324 = arith.addi %scan3A_322, %scan3A_323 : i32
      %scan3A_325 = arith.constant 1 : i32
      %scan3A_326:4 = scf.for %scan3A_398 = %scan3A_322 to %scan3A_324 step %scan3A_325 iter_args(%scan3A_399 = %broadcast_in_dim3A_231, %scan3A_400 = %broadcast_in_dim3A_233, %scan3A_401 = %broadcast_in_dim3A_235, %scan3A_402 = %broadcast_in_dim3A_237) -> (vector<16xf32>, vector<16xf32>, vector<16xf32>, vector<16xf32>)  : i32 {
        %mul3A_403 = arith.constant 2 : i32
        %mul3A_404 = arith.muli %mul3A_403, %scan3A_398 : i32
        %add3A_405 = arith.constant 20 : i32
        %add3A_406 = arith.addi %add3A_405, %mul3A_404 : i32
        %get3A = arith.index_cast %add3A_406 : i32 to index
        %get3A_407 = arith.constant 0 : index
        %get3A_408 = tpu.vector_load %arg11[%get3A, %get3A_407] {strides = array<i32>} : memref<40x64xf32, #tpu.memory_space<vmem>>, vector<1x16xf32>,
        %get3A_409 = vector.shape_cast %get3A_408 : vector<1x16xf32> to vector<16xf32>
        %add3A_410 = arith.addf %scan3A_399, %get3A_409 : vector<16xf32>
        %add3A_411 = arith.constant 1 : i32
        %add3A_412 = arith.addi %add3A_406, %add3A_411 : i32
        %get3A_413 = arith.index_cast %add3A_412 : i32 to index
        %get3A_414 = arith.constant 0 : index
        %get3A_415 = tpu.vector_load %arg11[%get3A_413, %get3A_414] {strides = array<i32>} : memref<40x64xf32, #tpu.memory_space<vmem>>, vector<1x16xf32>,
        %get3A_416 = vector.shape_cast %get3A_415 : vector<1x16xf32> to vector<16xf32>
        %add3A_417 = arith.addf %add3A_410, %get3A_416 : vector<16xf32>
        %get3A_418 = arith.index_cast %add3A_406 : i32 to index
        %get3A_419 = arith.constant 16 : index
        %get3A_420 = tpu.vector_load %arg11[%get3A_418, %get3A_419] {strides = array<i32>} : memref<40x64xf32, #tpu.memory_space<vmem>>, vector<1x16xf32>,
        %get3A_421 = vector.shape_cast %get3A_420 : vector<1x16xf32> to vector<16xf32>
        %add3A_422 = arith.addf %scan3A_400, %get3A_421 : vector<16xf32>
        %add3A_423 = arith.constant 1 : i32
        %add3A_424 = arith.addi %add3A_406, %add3A_423 : i32
        %get3A_425 = arith.index_cast %add3A_424 : i32 to index
        %get3A_426 = arith.constant 16 : index
        %get3A_427 = tpu.vector_load %arg11[%get3A_425, %get3A_426] {strides = array<i32>} : memref<40x64xf32, #tpu.memory_space<vmem>>, vector<1x16xf32>,
        %get3A_428 = vector.shape_cast %get3A_427 : vector<1x16xf32> to vector<16xf32>
        %add3A_429 = arith.addf %add3A_422, %get3A_428 : vector<16xf32>
        %get3A_430 = arith.index_cast %add3A_406 : i32 to index
        %get3A_431 = arith.constant 32 : index
        %get3A_432 = tpu.vector_load %arg11[%get3A_430, %get3A_431] {strides = array<i32>} : memref<40x64xf32, #tpu.memory_space<vmem>>, vector<1x16xf32>,
        %get3A_433 = vector.shape_cast %get3A_432 : vector<1x16xf32> to vector<16xf32>
        %add3A_434 = arith.addf %scan3A_401, %get3A_433 : vector<16xf32>
        %add3A_435 = arith.constant 1 : i32
        %add3A_436 = arith.addi %add3A_406, %add3A_435 : i32
        %get3A_437 = arith.index_cast %add3A_436 : i32 to index
        %get3A_438 = arith.constant 32 : index
        %get3A_439 = tpu.vector_load %arg11[%get3A_437, %get3A_438] {strides = array<i32>} : memref<40x64xf32, #tpu.memory_space<vmem>>, vector<1x16xf32>,
        %get3A_440 = vector.shape_cast %get3A_439 : vector<1x16xf32> to vector<16xf32>
        %add3A_441 = arith.addf %add3A_434, %get3A_440 : vector<16xf32>
        %get3A_442 = arith.index_cast %add3A_406 : i32 to index
        %get3A_443 = arith.constant 48 : index
        %get3A_444 = tpu.vector_load %arg11[%get3A_442, %get3A_443] {strides = array<i32>} : memref<40x64xf32, #tpu.memory_space<vmem>>, vector<1x16xf32>,
        %get3A_445 = vector.shape_cast %get3A_444 : vector<1x16xf32> to vector<16xf32>
        %add3A_446 = arith.addf %scan3A_402, %get3A_445 : vector<16xf32>
        %add3A_447 = arith.constant 1 : i32
        %add3A_448 = arith.addi %add3A_406, %add3A_447 : i32
        %get3A_449 = arith.index_cast %add3A_448 : i32 to index
        %get3A_450 = arith.constant 48 : index
        %get3A_451 = tpu.vector_load %arg11[%get3A_449, %get3A_450] {strides = array<i32>} : memref<40x64xf32, #tpu.memory_space<vmem>>, vector<1x16xf32>,
        %get3A_452 = vector.shape_cast %get3A_451 : vector<1x16xf32> to vector<16xf32>
        %add3A_453 = arith.addf %add3A_446, %get3A_452 : vector<16xf32>
        scf.yield %add3A_417, %add3A_429, %add3A_441, %add3A_453 : vector<16xf32>, vector<16xf32>, vector<16xf32>, vector<16xf32>
      }
      %scan3A_327 = arith.constant 10 : i32
      %mul3A_328 = arith.constant 5.000000e-02 : f32
      %mul3A_329 = vector.broadcast %mul3A_328 : f32 to vector<16xf32>
      %mul3A_330 = arith.mulf %scan3A_326#0, %mul3A_329 : vector<16xf32>
      %swap3A_331 = arith.index_cast %add3A_321 : i32 to index
      %swap3A_332 = arith.constant 0 : index
      %swap3A_333 = tpu.vector_load %arg13[%swap3A_331, %swap3A_332] {strides = array<i32>} : memref<128x128xf32, #tpu.memory_space<vmem>>, vector<1x16xf32>,
      %swap3A_334 = vector.shape_cast %swap3A_333 : vector<1x16xf32> to vector<16xf32>
      %swap3A_335 = vector.shape_cast %mul3A_330 : vector<16xf32> to vector<1x16xf32>
      tpu.vector_store %arg13[%swap3A_331, %swap3A_332], %swap3A_335 {strides = array<i32>} : memref<128x128xf32, #tpu.memory_space<vmem>>, vector<1x16xf32>,
      %mul3A_336 = arith.constant 5.000000e-02 : f32
      %mul3A_337 = vector.broadcast %mul3A_336 : f32 to vector<16xf32>
      %mul3A_338 = arith.mulf %scan3A_326#1, %mul3A_337 : vector<16xf32>
      %swap3A_339 = arith.index_cast %add3A_321 : i32 to index
      %swap3A_340 = arith.constant 16 : index
      %swap3A_341 = tpu.vector_load %arg13[%swap3A_339, %swap3A_340] {strides = array<i32>} : memref<128x128xf32, #tpu.memory_space<vmem>>, vector<1x16xf32>,
      %swap3A_342 = vector.shape_cast %swap3A_341 : vector<1x16xf32> to vector<16xf32>
      %swap3A_343 = vector.shape_cast %mul3A_338 : vector<16xf32> to vector<1x16xf32>
      tpu.vector_store %arg13[%swap3A_339, %swap3A_340], %swap3A_343 {strides = array<i32>} : memref<128x128xf32, #tpu.memory_space<vmem>>, vector<1x16xf32>,
      %mul3A_344 = arith.constant 5.000000e-02 : f32
      %mul3A_345 = vector.broadcast %mul3A_344 : f32 to vector<16xf32>
      %mul3A_346 = arith.mulf %scan3A_326#2, %mul3A_345 : vector<16xf32>
      %swap3A_347 = arith.index_cast %add3A_321 : i32 to index
      %swap3A_348 = arith.constant 32 : index
      %swap3A_349 = tpu.vector_load %arg13[%swap3A_347, %swap3A_348] {strides = array<i32>} : memref<128x128xf32, #tpu.memory_space<vmem>>, vector<1x16xf32>,
      %swap3A_350 = vector.shape_cast %swap3A_349 : vector<1x16xf32> to vector<16xf32>
      %swap3A_351 = vector.shape_cast %mul3A_346 : vector<16xf32> to vector<1x16xf32>
      tpu.vector_store %arg13[%swap3A_347, %swap3A_348], %swap3A_351 {strides = array<i32>} : memref<128x128xf32, #tpu.memory_space<vmem>>, vector<1x16xf32>,
      %mul3A_352 = arith.constant 5.000000e-02 : f32
      %mul3A_353 = vector.broadcast %mul3A_352 : f32 to vector<16xf32>
      %mul3A_354 = arith.mulf %scan3A_326#3, %mul3A_353 : vector<16xf32>
      %swap3A_355 = arith.index_cast %add3A_321 : i32 to index
      %swap3A_356 = arith.constant 48 : index
      %swap3A_357 = tpu.vector_load %arg13[%swap3A_355, %swap3A_356] {strides = array<i32>} : memref<128x128xf32, #tpu.memory_space<vmem>>, vector<1x16xf32>,
      %swap3A_358 = vector.shape_cast %swap3A_357 : vector<1x16xf32> to vector<16xf32>
      %swap3A_359 = vector.shape_cast %mul3A_354 : vector<16xf32> to vector<1x16xf32>
      tpu.vector_store %arg13[%swap3A_355, %swap3A_356], %swap3A_359 {strides = array<i32>} : memref<128x128xf32, #tpu.memory_space<vmem>>, vector<1x16xf32>,
      %scan3A_360 = arith.constant 0 : i32
      %scan3A_361 = arith.constant 100 : i32
      %scan3A_362 = arith.addi %scan3A_360, %scan3A_361 : i32
      %scan3A_363 = arith.constant 1 : i32
      %scan3A_364:4 = scf.for %scan3A_398 = %scan3A_360 to %scan3A_362 step %scan3A_363 iter_args(%scan3A_399 = %broadcast_in_dim3A_231, %scan3A_400 = %broadcast_in_dim3A_233, %scan3A_401 = %broadcast_in_dim3A_235, %scan3A_402 = %broadcast_in_dim3A_237) -> (vector<16xf32>, vector<16xf32>, vector<16xf32>, vector<16xf32>)  : i32 {
        %mul3A_403 = arith.constant 2 : i32
        %mul3A_404 = arith.muli %mul3A_403, %scan3A_398 : i32
        %add3A_405 = arith.constant 200 : i32
        %add3A_406 = arith.addi %add3A_405, %mul3A_404 : i32
        %get3A = arith.index_cast %add3A_406 : i32 to index
        %get3A_407 = arith.constant 0 : index
        %get3A_408 = tpu.vector_load %arg12[%get3A, %get3A_407] {strides = array<i32>} : memref<400x64xf32, #tpu.memory_space<vmem>>, vector<1x16xf32>,
        %get3A_409 = vector.shape_cast %get3A_408 : vector<1x16xf32> to vector<16xf32>
        %add3A_410 = arith.addf %scan3A_399, %get3A_409 : vector<16xf32>
        %add3A_411 = arith.constant 1 : i32
        %add3A_412 = arith.addi %add3A_406, %add3A_411 : i32
        %get3A_413 = arith.index_cast %add3A_412 : i32 to index
        %get3A_414 = arith.constant 0 : index
        %get3A_415 = tpu.vector_load %arg12[%get3A_413, %get3A_414] {strides = array<i32>} : memref<400x64xf32, #tpu.memory_space<vmem>>, vector<1x16xf32>,
        %get3A_416 = vector.shape_cast %get3A_415 : vector<1x16xf32> to vector<16xf32>
        %add3A_417 = arith.addf %add3A_410, %get3A_416 : vector<16xf32>
        %get3A_418 = arith.index_cast %add3A_406 : i32 to index
        %get3A_419 = arith.constant 16 : index
        %get3A_420 = tpu.vector_load %arg12[%get3A_418, %get3A_419] {strides = array<i32>} : memref<400x64xf32, #tpu.memory_space<vmem>>, vector<1x16xf32>,
        %get3A_421 = vector.shape_cast %get3A_420 : vector<1x16xf32> to vector<16xf32>
        %add3A_422 = arith.addf %scan3A_400, %get3A_421 : vector<16xf32>
        %add3A_423 = arith.constant 1 : i32
        %add3A_424 = arith.addi %add3A_406, %add3A_423 : i32
        %get3A_425 = arith.index_cast %add3A_424 : i32 to index
        %get3A_426 = arith.constant 16 : index
        %get3A_427 = tpu.vector_load %arg12[%get3A_425, %get3A_426] {strides = array<i32>} : memref<400x64xf32, #tpu.memory_space<vmem>>, vector<1x16xf32>,
        %get3A_428 = vector.shape_cast %get3A_427 : vector<1x16xf32> to vector<16xf32>
        %add3A_429 = arith.addf %add3A_422, %get3A_428 : vector<16xf32>
        %get3A_430 = arith.index_cast %add3A_406 : i32 to index
        %get3A_431 = arith.constant 32 : index
        %get3A_432 = tpu.vector_load %arg12[%get3A_430, %get3A_431] {strides = array<i32>} : memref<400x64xf32, #tpu.memory_space<vmem>>, vector<1x16xf32>,
        %get3A_433 = vector.shape_cast %get3A_432 : vector<1x16xf32> to vector<16xf32>
        %add3A_434 = arith.addf %scan3A_401, %get3A_433 : vector<16xf32>
        %add3A_435 = arith.constant 1 : i32
        %add3A_436 = arith.addi %add3A_406, %add3A_435 : i32
        %get3A_437 = arith.index_cast %add3A_436 : i32 to index
        %get3A_438 = arith.constant 32 : index
        %get3A_439 = tpu.vector_load %arg12[%get3A_437, %get3A_438] {strides = array<i32>} : memref<400x64xf32, #tpu.memory_space<vmem>>, vector<1x16xf32>,
        %get3A_440 = vector.shape_cast %get3A_439 : vector<1x16xf32> to vector<16xf32>
        %add3A_441 = arith.addf %add3A_434, %get3A_440 : vector<16xf32>
        %get3A_442 = arith.index_cast %add3A_406 : i32 to index
        %get3A_443 = arith.constant 48 : index
        %get3A_444 = tpu.vector_load %arg12[%get3A_442, %get3A_443] {strides = array<i32>} : memref<400x64xf32, #tpu.memory_space<vmem>>, vector<1x16xf32>,
        %get3A_445 = vector.shape_cast %get3A_444 : vector<1x16xf32> to vector<16xf32>
        %add3A_446 = arith.addf %scan3A_402, %get3A_445 : vector<16xf32>
        %add3A_447 = arith.constant 1 : i32
        %add3A_448 = arith.addi %add3A_406, %add3A_447 : i32
        %get3A_449 = arith.index_cast %add3A_448 : i32 to index
        %get3A_450 = arith.constant 48 : index
        %get3A_451 = tpu.vector_load %arg12[%get3A_449, %get3A_450] {strides = array<i32>} : memref<400x64xf32, #tpu.memory_space<vmem>>, vector<1x16xf32>,
        %get3A_452 = vector.shape_cast %get3A_451 : vector<1x16xf32> to vector<16xf32>
        %add3A_453 = arith.addf %add3A_446, %get3A_452 : vector<16xf32>
        scf.yield %add3A_417, %add3A_429, %add3A_441, %add3A_453 : vector<16xf32>, vector<16xf32>, vector<16xf32>, vector<16xf32>
      }
      %scan3A_365 = arith.constant 100 : i32
      %mul3A_366 = arith.constant 5.000000e-03 : f32
      %mul3A_367 = vector.broadcast %mul3A_366 : f32 to vector<16xf32>
      %mul3A_368 = arith.mulf %scan3A_364#0, %mul3A_367 : vector<16xf32>
      %swap3A_369 = arith.index_cast %add3A_321 : i32 to index
      %swap3A_370 = arith.constant 64 : index
      %swap3A_371 = tpu.vector_load %arg13[%swap3A_369, %swap3A_370] {strides = array<i32>} : memref<128x128xf32, #tpu.memory_space<vmem>>, vector<1x16xf32>,
      %swap3A_372 = vector.shape_cast %swap3A_371 : vector<1x16xf32> to vector<16xf32>
      %swap3A_373 = vector.shape_cast %mul3A_368 : vector<16xf32> to vector<1x16xf32>
      tpu.vector_store %arg13[%swap3A_369, %swap3A_370], %swap3A_373 {strides = array<i32>} : memref<128x128xf32, #tpu.memory_space<vmem>>, vector<1x16xf32>,
      %mul3A_374 = arith.constant 5.000000e-03 : f32
      %mul3A_375 = vector.broadcast %mul3A_374 : f32 to vector<16xf32>
      %mul3A_376 = arith.mulf %scan3A_364#1, %mul3A_375 : vector<16xf32>
      %swap3A_377 = arith.index_cast %add3A_321 : i32 to index
      %swap3A_378 = arith.constant 80 : index
      %swap3A_379 = tpu.vector_load %arg13[%swap3A_377, %swap3A_378] {strides = array<i32>} : memref<128x128xf32, #tpu.memory_space<vmem>>, vector<1x16xf32>,
      %swap3A_380 = vector.shape_cast %swap3A_379 : vector<1x16xf32> to vector<16xf32>
      %swap3A_381 = vector.shape_cast %mul3A_376 : vector<16xf32> to vector<1x16xf32>
      tpu.vector_store %arg13[%swap3A_377, %swap3A_378], %swap3A_381 {strides = array<i32>} : memref<128x128xf32, #tpu.memory_space<vmem>>, vector<1x16xf32>,
      %mul3A_382 = arith.constant 5.000000e-03 : f32
      %mul3A_383 = vector.broadcast %mul3A_382 : f32 to vector<16xf32>
      %mul3A_384 = arith.mulf %scan3A_364#2, %mul3A_383 : vector<16xf32>
      %swap3A_385 = arith.index_cast %add3A_321 : i32 to index
      %swap3A_386 = arith.constant 96 : index
      %swap3A_387 = tpu.vector_load %arg13[%swap3A_385, %swap3A_386] {strides = array<i32>} : memref<128x128xf32, #tpu.memory_space<vmem>>, vector<1x16xf32>,
      %swap3A_388 = vector.shape_cast %swap3A_387 : vector<1x16xf32> to vector<16xf32>
      %swap3A_389 = vector.shape_cast %mul3A_384 : vector<16xf32> to vector<1x16xf32>
      tpu.vector_store %arg13[%swap3A_385, %swap3A_386], %swap3A_389 {strides = array<i32>} : memref<128x128xf32, #tpu.memory_space<vmem>>, vector<1x16xf32>,
      %mul3A_390 = arith.constant 5.000000e-03 : f32
      %mul3A_391 = vector.broadcast %mul3A_390 : f32 to vector<16xf32>
      %mul3A_392 = arith.mulf %scan3A_364#3, %mul3A_391 : vector<16xf32>
      %swap3A_393 = arith.index_cast %add3A_321 : i32 to index
      %swap3A_394 = arith.constant 112 : index
      %swap3A_395 = tpu.vector_load %arg13[%swap3A_393, %swap3A_394] {strides = array<i32>} : memref<128x128xf32, #tpu.memory_space<vmem>>, vector<1x16xf32>,
      %swap3A_396 = vector.shape_cast %swap3A_395 : vector<1x16xf32> to vector<16xf32>
      %swap3A_397 = vector.shape_cast %mul3A_392 : vector<16xf32> to vector<1x16xf32>
      tpu.vector_store %arg13[%swap3A_393, %swap3A_394], %swap3A_397 {strides = array<i32>} : memref<128x128xf32, #tpu.memory_space<vmem>>, vector<1x16xf32>,
    }
    %scan3A_20 = arith.constant 32 : i32
    "tpu.region"() ({
      %run_scoped3A = tpu.sem_alloc : memref<!tpu.dma_semaphore, #tpu.memory_space<semaphore_mem>>
      %dma_start3A_21 = arith.constant 0 : i32
      %dma_start3A_22 = tpu.memref_slice %arg6[%mul3A_2, %dma_start3A_21] : memref<4096x128xf32, #tpu.memory_space<hbm>> -> memref<128x128xf32, #tpu.memory_space<hbm>>
      %dma_start3A_23 = arith.constant 0 : i32
      %dma_start3A_24 = tpu.memref_slice %arg6[%mul3A_2, %dma_start3A_23] : memref<4096x128xf32, #tpu.memory_space<hbm>> -> memref<128x128xf32, #tpu.memory_space<hbm>>
      tpu.enqueue_dma source(%arg13 : memref<128x128xf32, #tpu.memory_space<vmem>>) target(%dma_start3A_24 : memref<128x128xf32, #tpu.memory_space<hbm>>) target_semaphore(%run_scoped3A : memref<!tpu.dma_semaphore, #tpu.memory_space<semaphore_mem>>)
      %dma_wait3A = arith.constant 0 : i32
      %dma_wait3A_25 = tpu.memref_slice %arg6[%mul3A_2, %dma_wait3A] : memref<4096x128xf32, #tpu.memory_space<hbm>> -> memref<128x128xf32, #tpu.memory_space<hbm>>
      %dma_wait3A_26 = arith.constant 0 : i32
      %dma_wait3A_27 = tpu.memref_slice %arg6[%mul3A_2, %dma_wait3A_26] : memref<4096x128xf32, #tpu.memory_space<hbm>> -> memref<128x128xf32, #tpu.memory_space<hbm>>
      tpu.wait_dma2 semaphore(%run_scoped3A : memref<!tpu.dma_semaphore, #tpu.memory_space<semaphore_mem>>) src(%arg13 : memref<128x128xf32, #tpu.memory_space<vmem>>) dst(%dma_wait3A_27 : memref<128x128xf32, #tpu.memory_space<hbm>>)
      tpu.yield
    }) : () -> ()
    return
  }
}

module attributes {stable_mosaic.version = 14 : i64} {
  func.func @_mlp_body(%arg0: i32, %arg1: memref<512x128xf32, #tpu.memory_space<vmem>>, %arg2: memref<128x600xf32, #tpu.memory_space<vmem>>, %arg3: memref<1x600xf32, #tpu.memory_space<vmem>>, %arg4: memref<600x1000xf32, #tpu.memory_space<vmem>>, %arg5: memref<1x1000xf32, #tpu.memory_space<vmem>>, %arg6: memref<512x1000xf32, #tpu.memory_space<vmem>>) attributes {dimension_semantics = [#tpu.dimension_semantics<arbitrary>], iteration_bounds = array<i64: 8>, scalar_prefetch = 0 : i64, scratch_operands = 0 : i64, tpu.core_type = #tpu.core_type<tc>, window_params = [{transform_indices = @transform_0, window_bounds = array<i64: 512, 128>}, {pipeline_mode = #tpu.pipeline_mode<synchronous>, transform_indices = @transform_1, window_bounds = array<i64: 128, 600>}, {pipeline_mode = #tpu.pipeline_mode<synchronous>, transform_indices = @transform_2, window_bounds = array<i64: 1, 600>}, {pipeline_mode = #tpu.pipeline_mode<synchronous>, transform_indices = @transform_3, window_bounds = array<i64: 600, 1000>}, {pipeline_mode = #tpu.pipeline_mode<synchronous>, transform_indices = @transform_4, window_bounds = array<i64: 1, 1000>}, {transform_indices = @transform_5, window_bounds = array<i64: 512, 1000>}]} {
    %get3A = arith.constant 0 : index
    %get3A_0 = arith.constant 0 : index
    %get3A_1 = vector.load %arg1[%get3A, %get3A_0] : memref<512x128xf32, #tpu.memory_space<vmem>>, vector<512x128xf32>
    %get3A_2 = arith.constant 0 : index
    %get3A_3 = arith.constant 0 : index
    %get3A_4 = vector.load %arg2[%get3A_2, %get3A_3] : memref<128x600xf32, #tpu.memory_space<vmem>>, vector<128x600xf32>
    %dot_general3A = arith.constant dense<0.000000e+00> : vector<512x600xf32>
    %dot_general3A_5 = tpu.matmul %get3A_1, %get3A_4, %dot_general3A {dimension_numbers = #tpu.dot_dimension_numbers<[1], [0], [0], [1], [0, 0, 1, 1], [], []>, transpose_lhs_hint = false} : vector<512x128xf32>, vector<128x600xf32>, vector<512x600xf32> -> vector<512x600xf32>
    %get3A_6 = arith.constant 0 : index
    %get3A_7 = arith.constant 0 : index
    %get3A_8 = vector.load %arg3[%get3A_6, %get3A_7] : memref<1x600xf32, #tpu.memory_space<vmem>>, vector<1x600xf32>
    %add3A = vector.broadcast %get3A_8 : vector<1x600xf32> to vector<512x600xf32>
    %add3A_9 = arith.addf %dot_general3A_5, %add3A : vector<512x600xf32>
    %max3A = arith.constant 0.000000e+00 : f32
    %max3A_10 = vector.broadcast %max3A : f32 to vector<512x600xf32>
    %max3A_11 = arith.maximumf %add3A_9, %max3A_10 : vector<512x600xf32>
    %get3A_12 = arith.constant 0 : index
    %get3A_13 = arith.constant 0 : index
    %get3A_14 = vector.load %arg4[%get3A_12, %get3A_13] : memref<600x1000xf32, #tpu.memory_space<vmem>>, vector<600x1000xf32>
    %dot_general3A_15 = arith.constant dense<0.000000e+00> : vector<512x1000xf32>
    %dot_general3A_16 = tpu.matmul %max3A_11, %get3A_14, %dot_general3A_15 {dimension_numbers = #tpu.dot_dimension_numbers<[1], [0], [0], [1], [0, 0, 1, 1], [], []>, transpose_lhs_hint = false} : vector<512x600xf32>, vector<600x1000xf32>, vector<512x1000xf32> -> vector<512x1000xf32>
    %get3A_17 = arith.constant 0 : index
    %get3A_18 = arith.constant 0 : index
    %get3A_19 = vector.load %arg5[%get3A_17, %get3A_18] : memref<1x1000xf32, #tpu.memory_space<vmem>>, vector<1x1000xf32>
    %add3A_20 = vector.broadcast %get3A_19 : vector<1x1000xf32> to vector<512x1000xf32>
    %add3A_21 = arith.addf %dot_general3A_16, %add3A_20 : vector<512x1000xf32>
    %swap3A = arith.constant 0 : index
    %swap3A_22 = arith.constant 0 : index
    %swap3A_23 = vector.load %arg6[%swap3A, %swap3A_22] : memref<512x1000xf32, #tpu.memory_space<vmem>>, vector<512x1000xf32>
    tpu.vector_store %arg6[%swap3A, %swap3A_22], %add3A_21 {strides = array<i32>} : memref<512x1000xf32, #tpu.memory_space<vmem>>, vector<512x1000xf32>,
    return
  }
  func.func @transform_0(%arg0: i32) -> (i32, i32) {
    %c0_i32 = arith.constant 0 : i32
    %c0_i32_0 = arith.constant 0 : i32
    return %arg0, %c0_i32 : i32, i32
  }
  func.func @transform_1(%arg0: i32) -> (i32, i32) {
    %c0_i32 = arith.constant 0 : i32
    %c0_i32_0 = arith.constant 0 : i32
    %c0_i32_1 = arith.constant 0 : i32
    return %c0_i32, %c0_i32_0 : i32, i32
  }
  func.func @transform_2(%arg0: i32) -> (i32, i32) {
    %c0_i32 = arith.constant 0 : i32
    %c0_i32_0 = arith.constant 0 : i32
    %c0_i32_1 = arith.constant 0 : i32
    return %c0_i32, %c0_i32_0 : i32, i32
  }
  func.func @transform_3(%arg0: i32) -> (i32, i32) {
    %c0_i32 = arith.constant 0 : i32
    %c0_i32_0 = arith.constant 0 : i32
    %c0_i32_1 = arith.constant 0 : i32
    return %c0_i32, %c0_i32_0 : i32, i32
  }
  func.func @transform_4(%arg0: i32) -> (i32, i32) {
    %c0_i32 = arith.constant 0 : i32
    %c0_i32_0 = arith.constant 0 : i32
    %c0_i32_1 = arith.constant 0 : i32
    return %c0_i32, %c0_i32_0 : i32, i32
  }
  func.func @transform_5(%arg0: i32) -> (i32, i32) {
    %c0_i32 = arith.constant 0 : i32
    %c0_i32_0 = arith.constant 0 : i32
    return %arg0, %c0_i32 : i32, i32
  }
}

</mosaic_0001>

<sc_bundles>
// kernel: kernel.5.cloned.1.call-start
scs
__scs_entry_jumppad:
0x0: {  	(pc) =	sbr.rel $0x88, $3  }
0x1: {  	(tag) =	ssettag $0x0;
	lr =	simm.s32 $0x1  }
0x2: {  	[smem:$0x3F99] =	sst lr;
	_ =	strace $0xD0000000  }
0x3: {  	_ = 	snop  }
0x4: {  	_ = 	snop  }
0x5: {  	_ = 	snop  }
0x6: {  	_ = 	snop  }
0x7: {  	_ = 	snop  }
__scs_overlays_trampoline_lowered:
0x8: {  	[smem:$0x3FA8] =	sst s0  }
0x9: {  	[smem:$0x3FA9] =	sst s1  }
0xa: {  	[smem:$0x3FAA] =	sst s2  }
0xb: {  	[smem:$0x3FAB] =	sst s3  }
0xc: {  	[smem:$0x3FAC] =	sst s4  }
0xd: {  	[smem:$0x3FAD] =	sst s5  }
0xe: {  	[smem:$0x3FAE] =	sst s6  }
0xf: {  	[smem:$0x3FAF] =	sst s7  }
0x10: {  	[smem:$0x3FB0] =	sst s8  }
0x11: {  	[smem:$0x3FB1] =	sst s9;
	s0 =	simm.s32 @!p0 $0x0  }
0x12: {  	s1 =	sld [smem:$0x3F97];
	s0 =	simm.s32 @p0 $0x1  }
0x13: {  	[smem:$0x3FB2] =	sst s0;
	s0 =	simm.s32 @!p1 $0x0  }
0x14: {  	s2 =	sld [smem:$0x3F96];
	s0 =	simm.s32 @p1 $0x1  }
0x15: {  	[smem:$0x3FB3] =	sst s0;
	s0 =	simm.s32 @!p2 $0x0  }
0x16: {  	s3 =	sld [smem:$0x3FDB];
	s0 =	simm.s32 @p2 $0x1  }
0x17: {  	s4 =	simm.s32 $0x1BF5;
	[smem:$0x3FB5] =	sst s0  }
0x18: {  	s0 =	sld [smem:$0x3F98];
	_ =	swait.ge [sflag:s4], $0x0  }
0x19: {  	s7 =	sld [smem:$0x3F99]  }
0x1a: {  	s8 =	sadd.s32 $0xFFFFE003, lr  }
0x1b: {  	s9 =	sadd.s32 $0xFFFFFEF7, lr;
	s5 =	simm.s32 $0xFFFFFFFF;
	p2 =	slt.u32 s8, $0xFFFFF086  }
0x1c: {  	p1 =	slt.u32 s9, $0xF7A;
	s5 =	simm.s32 @!p2 $0x0  }
0x1d: {  	s5 =	simm.s32 @p1 $0x1;
	p0 =	seq.s32 s7, s2  }
0x1e: {  	s7 =	smul.u32 @!p0 $0xF7A, s2;
	p2 =	seq.s32 @!p0 s5, $0x0  }
0x1f: {  	s9 =	smul.u32 $0xF7A, s1;
	s8 =	simm.s32 @!p0 $0x1BF5;
	p2 =	por !p2, p0  }
0x20: {  	[sflag:s8] =	ssyncset.s32 @!p0 $0xFFFFF086;
	s6 =	sadd.s32 @!p0 s3, s7;
	s7 =	simm.s32 @!p0 $0x108  }
0x21: {  	s3 =	sadd.s32 s3, s9;
	s6 =	sadd.s32 @!p0 $0x88, s6;
	s7 =	simm.s32 @p2 $0x1082  }
0x22: {  	[simem:s7], [sflag:s8] =	dma.local @!p0 [hbm:s6], $0xF7A  }
0x23: {  	s9 =	sor.u32 $0xD0000000, s2;
	s6 =	simm.s32 $0x108;
	_ =	swait.ge @!p0 [sflag:s8], $0x0  }
0x24: {  	s3 =	sadd.s32 $0x88, s3;
	s6 =	simm.s32 @!p1 $0x1082;
	[sflag:s4] =	ssyncset.s32 $0xFFFFF086  }
0x25: {  	[simem:s6], [sflag:s4] =	dma.local [hbm:s3], $0xF7A  }
0x26: {  	[smem:$0x3F99] =	sst s1;
	(tag) =	ssettag s2;
	_ =	strace s9  }
0x27: {  	s1 =	sld [smem:$0x3FA9]  }
0x28: {  	s2 =	sld [smem:$0x3FAA]  }
0x29: {  	s4 =	sld [smem:$0x3FAC]  }
0x2a: {  	p0 =	seq.s32 s5, $0x0;
	s5 =	sld [smem:$0x3FAD]  }
0x2b: {  	s6 =	sld [smem:$0x3FAE]  }
0x2c: {  	s7 =	sld [smem:$0x3FAF]  }
0x2d: {  	s3 =	simm.s32 $0x108;
	s8 =	sld [smem:$0x3FB0]  }
0x2e: {  	s3 =	simm.s32 @!p0 $0x1082;
	s9 =	sld [smem:$0x3FB1]  }
0x2f: {  	lr =	sadd.s32 s0, s3;
	s0 =	sld [smem:$0x3FA8]  }
0x30: {  	s3 =	sld [smem:$0x3FAB]  }
0x31: {  	[smem:$0x3FB4] =	sst s10  }
0x32: {  	s10 =	sld [smem:$0x3FB2];
	_ =	sdelay $0x3  }
0x33: {  	p0 =	seq.s32 s10, $0x1;
	s10 =	sld [smem:$0x3FB4];
	_ =	sdelay $0x3  }
0x34: {  	[smem:$0x3FB4] =	sst s10  }
0x35: {  	s10 =	sld [smem:$0x3FB3];
	_ =	sdelay $0x3  }
0x36: {  	p1 =	seq.s32 s10, $0x1;
	s10 =	sld [smem:$0x3FB4];
	_ =	sdelay $0x3  }
0x37: {  	[smem:$0x3FB4] =	sst s10  }
0x38: {  	s10 =	sld [smem:$0x3FB5]  }
0x39: {  	_ = 	snop;
	(pc) =	sbr.ind lr, $3  }
0x3a: {  	_ = 	snop  }
0x3b: {  	_ = 	snop  }
0x3c: {  	p2 =	seq.s32 s10, $0x1;
	s10 =	sld [smem:$0x3FB4]  }
0x3d: {  	_ =	shalt  }
0x3e: {  	_ =	shalt  }
0x3f: {  	_ =	shalt  }
0x40: {  	_ =	shalt  }
0x41: {  	_ =	shalt  }
0x42: {  	_ =	shalt  }
0x43: {  	_ =	shalt  }
0x44: {  	_ =	shalt  }
0x45: {  	_ =	shalt  }
0x46: {  	_ =	shalt  }
0x47: {  	_ =	shalt  }
0x48: {  	_ =	shalt  }
0x49: {  	_ =	shalt  }
0x4a: {  	_ =	shalt  }
0x4b: {  	_ =	shalt  }
0x4c: {  	_ =	shalt  }
0x4d: {  	_ =	shalt  }
0x4e: {  	_ =	shalt  }
0x4f: {  	_ =	shalt  }
0x50: {  	_ =	shalt  }
0x51: {  	_ =	shalt  }
0x52: {  	_ =	shalt  }
0x53: {  	_ =	shalt  }
0x54: {  	_ =	shalt  }
0x55: {  	_ =	shalt  }
0x56: {  	_ =	shalt  }
0x57: {  	_ =	shalt  }
0x58: {  	_ =	shalt  }
0x59: {  	_ =	shalt  }
0x5a: {  	_ =	shalt  }
0x5b: {  	_ =	shalt  }
0x5c: {  	_ =	shalt  }
0x5d: {  	_ =	shalt  }
0x5e: {  	_ =	shalt  }
0x5f: {  	_ =	shalt  }
0x60: {  	_ =	shalt  }
0x61: {  	_ =	shalt  }
0x62: {  	_ =	shalt  }
0x63: {  	_ =	shalt  }
0x64: {  	_ =	shalt  }
0x65: {  	_ =	shalt  }
0x66: {  	_ =	shalt  }
0x67: {  	_ =	shalt  }
0x68: {  	_ =	shalt  }
0x69: {  	_ =	shalt  }
0x6a: {  	_ =	shalt  }
0x6b: {  	_ =	shalt  }
0x6c: {  	_ =	shalt  }
0x6d: {  	_ =	shalt  }
0x6e: {  	_ =	shalt  }
0x6f: {  	_ =	shalt  }
0x70: {  	_ =	shalt  }
0x71: {  	_ =	shalt  }
0x72: {  	_ =	shalt  }
0x73: {  	_ =	shalt  }
0x74: {  	_ =	shalt  }
0x75: {  	_ =	shalt  }
0x76: {  	_ =	shalt  }
0x77: {  	_ =	shalt  }
0x78: {  	_ =	shalt  }
0x79: {  	_ =	shalt  }
0x7a: {  	_ =	shalt  }
0x7b: {  	_ =	shalt  }
0x7c: {  	_ =	shalt  }
0x7d: {  	_ =	shalt  }
0x7e: {  	_ =	shalt  }
0x7f: {  	_ =	shalt  }
0x80: {  	_ =	shalt  }
0x81: {  	_ =	shalt  }
0x82: {  	_ =	shalt  }
0x83: {  	_ =	shalt  }
0x84: {  	_ =	shalt  }
0x85: {  	_ =	shalt  }
0x86: {  	_ =	shalt  }
0x87: {  	_ =	shalt  }
.Lfunc_end0:
.L_simem_size_0:
called_computation_lowered:
.L_overlay_start_0:
0x88: {  	s2 =	sld [smem:$0x3FD9]  }
0x89: {  	s3 =	sld [smem:$0x3FFE];
	_ =	sdelay $0x1  }
0x8a: {  	s1 =	srdreg.scid  }
0x8b: {  	s0 =	sand.u32 $0x1, s1  }
0x8c: {  	s17 =	sshll.u32 s0, $0xA;
	s2 =	sadd.s32 s3, s2  }
0x8d: {  	s2 =	sadd.s32 s2, s17  }
0x8e: {  	[smem:$0x3FC0] =	sst s2  }
0x8f: {  	_ = 	snop  }
0x90: {  	s2 =	sld [smem:$0x3FD0];
	(tm) =	ssettm $0x1  }
0x91: {  	s18 =	sld [smem:$0x3FFB];
	_ =	sdelay $0x3  }
0x92: {  	_ =	strace s18  }
0x93: {  	s3 =	sld [smem:$0x3FFC];
	_ =	sdelay $0x3  }
0x94: {  	_ =	strace s3  }
0x95: {  	s3 =	sld [smem:$0x3FFD];
	_ =	sdelay $0x3  }
0x96: {  	_ =	strace s3  }
0x97: {  	_ =	strace $0x8FFFFFFF  }
0x98: {  	s19 =	sld [smem:$0x3FDB];
	_ =	sdelay $0x1  }
0x99: {  	s4 =	simm.s32 $_scs_section_size  }
0x9a: {  	s5 =	simm.s32 $_size__tile_overlayer_lowered;
	s6 =	simm.s32 $_tile_overlayer_lowered  }
0x9b: {  	s22 =	simm.s32 $0x1BFF;
	s21 =	sshll.u32 s6, $0x1;
	s3 =	sadd.s32 s4, s19  }
0x9c: {  	s7 =	simm.s32 $0x0;
	s20 =	sshll.u32 s5, $0x1;
	s5 =	sadd.s32 s21, s3  }
0x9d: {  	[timem:s7], [sflag:s22] =	dma.local [hbm:s5], s20  }
0x9e: {  	_ =	swait.ge [sflag:s22], s20  }
0x9f: {  	s4 =	ssub.s32 $0x0, s20;
	[sflag:s22] =	ssyncset.done $0x0  }
0xa0: {  	[sflag:s22] =	ssyncadd.s32 s4;
	_ =	sdelay $0x1  }
0xa1: {  	s23 =	simm.s32 $0x1B8B  }
0xa2: {  	_ =	swait.ge [sflag:s23], $0x1  }
0xa3: {  	[sflag:s23] =	ssyncset.done $0x0  }
0xa4: {  	s25 =	simm.s32 $0x1B8E;
	s24 =	sld [smem:$0x3FFE];
	[sflag:s23] =	ssyncadd.s32 $0xFFFFFFFF  }
0xa5: {  	s26 =	simm.s32 $execute0_lowered;
	[smem:$0x3FD2] =	sst s25  }
0xa6: {  	s5 =	sshll.u32 s26, $0x1;
	_ =	strace $0x80000046;
	[dreg:$0x1] =	wrdreg $0xFFFFFFFF  }
0xa7: {  	s28 =	simm.s32 $_size_execute0_lowered;
	s3 =	sadd.s32 s3, s5;
	[dreg:$0x0] =	wrdreg $0x0  }
0xa8: {  	s5 =	sshll.u32 s28, $0x1;
	[dreg:$0x2] =	wrdreg s3  }
0xa9: {  	[dreg:$0x3] =	wrdreg s5  }
0xaa: {  	[dreg:$0x4] =	wrdreg $0xC0  }
0xab: {  	_ =	task [dreg:s7], $0x5FFFF  }
0xac: {  	[dreg:$0x1] =	wrdreg $0xFFFFFFFF  }
0xad: {  	[dreg:$0x0] =	wrdreg $0x60  }
0xae: {  	[dreg:$0x2] =	wrdreg s24  }
0xaf: {  	[dreg:$0x3] =	wrdreg s2  }
0xb0: {  	[dreg:$0x4] =	wrdreg $0x9  }
0xb1: {  	_ =	task.clear_ibuf [dreg:s7], $0x5FFFF;
	_ =	strace $0x90000046  }
0xb2: {  	s29 =	simm.s32 $0x9;
	_ =	strace $0x80000048  }
0xb3: {  	_ =	swait.ge [sflag:s29], $0x1  }
0xb4: {  	[sflag:s29] =	ssyncadd.s32 $0xFFFFFFFF  }
0xb5: {  	_ =	strace $0x90000048  }
0xb6: {  	_ =	sfence  }
0xb7: {  	s30 =	sld [smem:$0x0];
	_ =	sdelay $0x2  }
0xb8: {  	s31 =	sshll.u32 s1, $0xD;
	s1 =	sshrl.u32 s1, $0x2  }
0xb9: {  	s3 =	sand.u32 $0x4000, s31;
	s1 =	sadd.s32 s1, s30  }
0xba: {  	s0 =	sor.u32 s3, s0;
	s1 =	sshll.u32 s1, $0x11  }
0xbb: {  	s0 =	sor.u32 s1, s0  }
0xbc: {  	s0 =	sadd.s32 $0x8F2B, s0  }
0xbd: {  	[sflag:s0] =	ssyncadd.remote.s32 $0x1  }
0xbe: {  	_ =	sfence.sel $0xFFFF  }
0xbf: {  	[dreg:$0x0] =	wrdreg $0xFFFFFFFF;
	(pc) =	sbr.abs _section_cstart, $3  }
0xc0: {  	[dreg:$0x1] =	wrdreg $0xFFFFFFFF  }
0xc1: {  	_ =	task.clear_ibuf [dreg:s7], $0x2FFFF;
	_ =	strace $0x9FFFFFFF  }
0xc2: {  	(tm) =	ssettm $0x7FFFFFFF  }
0xc3: {  	_ =	shalt  }
tec
execute0_lowered:
.L_overlay_start_1:
0x0: {  	(tag) =	ssettag $0x1  }
0x1: {  	s1 =	srdreg.scid;
	s3 =	rddreg [dreg:$0x0]  }
0x2: {  	s0 =	stileid.u32;
	s5 =	rddreg [dreg:$0x1]  }
0x3: {  	s2 =	simm.s32 $0x0;
	s11 =	simm.s32 $0xCA00;
	s12 =	simm.s32 $0x0  }
0x4: {  	s4 =	sand.u32 $0x1, s1;
	s29 =	sshll.u32 s0, $0x1;
	[smem:$0x7FF] =	sst s2  }
0x5: {  	s1 =	rddreg [dreg:$0x2];
	s6 =	sor.u32 s4, s29;
	_ =	strace $0x80000047  }
0x6: {  	s4 =	ssub.s32 $0x2, s4;
	s7 =	smul.u32 $0x140, s6;
	s8 =	sshll.u32 s6, $0xB  }
0x7: {  	s9 =	smul.u32 $0xC80, s6;
	s30 =	sshrl.u32 s4, $0x1;
	s31 =	sshll.u32 s6, $0xC  }
0x8: {  	s8 =	sadd.s32 s8, s3;
	s10 =	ssub.s32 s4, s30;
	s4 =	sadd.s32 s5, s31  }
0x9: {  	s7 =	sadd.s32 s7, s3;
	s9 =	sadd.s32 s9, s3;
	s3 =	sadd.s32 $0x1600, s8  }
0xa: {  	v0 =	vlaneseq.u32;
	s8 =	simm.s32 $0x1;
	s5 =	sadd.s32 $0x11600, s7;
	s6 =	sadd.s32 $0x13E00, s9  }
0xb: {  	v1 =	vadd.s32 $0x4, v0;
	v2 =	vadd.s32 $0x438, v0;
	s7 =	smax.u32 s10, $0x1;
	s9 =	simm.s32 $0x4000;
	s10 =	simm.s32 $0xC000  }
.LBB2_1:
0xc: {  	[tilespmem:s2], [sflag:$0x1] =	stream.linear.gather [hbm4b:s3+s2], $0x4000, $0x38;
	[tilespmem:$0x12E00] =	vst v63  }
0xd: {  	_ =	swait.ge [sflag:s8], $0x4000  }
0xe: {  	[sflag:s8] =	ssyncset.done $0x0  }
0xf: {  	[sflag:s8] =	ssyncadd.s32 $0xFFFFC000  }
0x10: {  	[tilespmem:s9], [sflag:$0x1] =	stream.linear.gather [hbm4b:s4+s2], $0x8000, $0x38;
	[tilespmem:$0x12E00] =	vst v63  }
0x11: {  	_ =	swait.ge [sflag:s8], $0x8000  }
0x12: {  	[sflag:s8] =	ssyncset.done $0x0  }
0x13: {  	s13 =	simm.s32 $0x0;
	v3 =	vmov s2;
	[sflag:s8] =	ssyncadd.s32 $0xFFFF8000  }
0x14: {  	v5 =	vadd.s32 s13, v0;
	v6 =	vshll.u32 v3, $0x7;
	v4 =	vld [tilespmem:s2+$0x0]  }
0x15: {  	v7 =	vor.u32 v1, v6;
	_ =	sdelay $0x3  }
0x16: {  	s17 =	simm.s32 $0x4;
	[tilespmem:v5+s10+$0x0] =	vst.idx.msk $0xffff, v4  }
0x17: {  	v5 =	vadd.s32 s17, v0;
	v4 =	vld.idx.msk [tilespmem:v7+s2+$0x0], $0xffff;
	_ =	sdelay $0x3  }
0x18: {  	s18 =	sand.u32 $0x7800, s2;
	s14 =	sand.u32 $0x380, s2  }
0x19: {  	s15 =	simm.s32 $0x0;
	s13 =	sor.u32 s14, s18;
	[tilespmem:v5+s10+$0x0] =	vst.idx.msk $0xffff, v4  }
0x1a: {  	v5 =	vadd.s32 s15, v0;
	v4 =	vld [tilespmem:s13+$0x4000];
	_ =	sdelay $0x4  }
0x1b: {  	s19 =	simm.s32 $0x10;
	[tilespmem:v5+s11+$0x0] =	vst.idx.msk $0xffff, v4  }
0x1c: {  	v5 =	vadd.s32 s19, v0;
	v4 =	vld [tilespmem:s13+$0x4010];
	_ =	sdelay $0x4  }
0x1d: {  	s20 =	simm.s32 $0x20;
	[tilespmem:v5+s11+$0x0] =	vst.idx.msk $0xffff, v4  }
0x1e: {  	v5 =	vadd.s32 s20, v0;
	v4 =	vld [tilespmem:s13+$0x4020];
	_ =	sdelay $0x4  }
0x1f: {  	s21 =	simm.s32 $0x30;
	[tilespmem:v5+s11+$0x0] =	vst.idx.msk $0xffff, v4  }
0x20: {  	v5 =	vadd.s32 s21, v0;
	v4 =	vld [tilespmem:s13+$0x4030];
	_ =	sdelay $0x4  }
0x21: {  	s22 =	simm.s32 $0x40;
	[tilespmem:v5+s11+$0x0] =	vst.idx.msk $0xffff, v4  }
0x22: {  	v5 =	vadd.s32 s22, v0;
	v4 =	vld [tilespmem:s13+$0x4040];
	_ =	sdelay $0x4  }
0x23: {  	s23 =	simm.s32 $0x50;
	[tilespmem:v5+s11+$0x0] =	vst.idx.msk $0xffff, v4  }
0x24: {  	v5 =	vadd.s32 s23, v0;
	v4 =	vld [tilespmem:s13+$0x4050];
	_ =	sdelay $0x4  }
0x25: {  	s24 =	simm.s32 $0x60;
	[tilespmem:v5+s11+$0x0] =	vst.idx.msk $0xffff, v4  }
0x26: {  	v5 =	vadd.s32 s24, v0;
	v4 =	vld [tilespmem:s13+$0x4060];
	_ =	sdelay $0x4  }
0x27: {  	s25 =	simm.s32 $0x70;
	[tilespmem:v5+s11+$0x0] =	vst.idx.msk $0xffff, v4  }
0x28: {  	v5 =	vadd.s32 s25, v0;
	v4 =	vld [tilespmem:s13+$0x4070];
	_ =	sdelay $0x4  }
0x29: {  	s26 =	simm.s32 $0x80;
	[tilespmem:v5+s11+$0x0] =	vst.idx.msk $0xffff, v4  }
0x2a: {  	v5 =	vadd.s32 s26, v0;
	v4 =	vld [tilespmem:s13+$0x4400];
	_ =	sdelay $0x4  }
0x2b: {  	s28 =	simm.s32 $0x90;
	[tilespmem:v5+s11+$0x0] =	vst.idx.msk $0xffff, v4  }
0x2c: {  	v5 =	vadd.s32 s28, v0;
	v4 =	vld [tilespmem:s13+$0x4410];
	_ =	sdelay $0x4  }
0x2d: {  	s29 =	simm.s32 $0xA0;
	[tilespmem:v5+s11+$0x0] =	vst.idx.msk $0xffff, v4  }
0x2e: {  	v5 =	vadd.s32 s29, v0;
	v4 =	vld [tilespmem:s13+$0x4420];
	_ =	sdelay $0x3  }
0x2f: {  	v3 =	vshll.u32 v3, $0x8  }
0x30: {  	s30 =	simm.s32 $0xB0;
	v3 =	vand.u32 $0x7800, v3;
	[tilespmem:v5+s11+$0x0] =	vst.idx.msk $0xffff, v4;
	v4 =	vand.u32 $0x380, v6  }
0x31: {  	v63 =	vadd.s32 s30, v0;
	v5 =	vld [tilespmem:s13+$0x4430];
	v3 =	vor.u32 v4, v3  }
0x32: {  	v3 =	vor.u32 v2, v3;
	_ =	sdelay $0x3  }
0x33: {  	s31 =	simm.s32 $0xB8;
	[tilespmem:v63+s11+$0x0] =	vst.idx.msk $0xffff, v5  }
0x34: {  	v5 =	vadd.s32 s31, v0;
	v4 =	vld.idx.msk [tilespmem:v3+s9+$0x0], $0xffff;
	_ =	sdelay $0x2  }
0x35: {  	s16 =	simm.s32 $0x0;
	s14 =	simm.s32 $0x18  }
0x36: {  	s18 =	simm.s32 $0x248;
	s17 =	simm.s32 $0x1;
	s15 =	simm.s32 $0x0  }
0x37: {  	s19 =	simm.s32 $0x80;
	s20 =	simm.s32 $0x14;
	s13 =	simm.s32 $0x180;
	v3 =	vmov s17;
	[tilespmem:v5+s11+$0x0] =	vst.idx.msk $0xffff, v4  }
.LBB2_2:
0x38: {  	p0 =	sne.s32 s18, $0x63F0;
	v5 =	vld [tilespmem:s19+$0x0];
	v6 =	vadd.s32 s20, v0;
	v4 =	vshll.u32 v3, $0x7  }
0x39: {  	v7 =	vor.u32 v1, v4;
	_ =	sdelay $0x3  }
0x3a: {  	[tilespmem:v6+s10+$0x0] =	vst.idx.msk $0xffff, v5  }
0x3b: {  	v5 =	vld.idx.msk [tilespmem:v7+s2+$0x0], $0xffff  }
0x3c: {  	v6 =	vadd.s32 s14, v0;
	_ =	sdelay $0x2  }
0x3d: {  	s15 =	sadd.s32 $0x80, s15;
	s16 =	sadd.s32 $0x100, s16  }
0x3e: {  	s20 =	sand.u32 $0x7800, s16;
	s21 =	sand.u32 $0x380, s15  }
0x3f: {  	s22 =	sadd.s32 $0xFFFFFF48, s13;
	s20 =	sor.u32 s21, s20;
	[tilespmem:v6+s10+$0x0] =	vst.idx.msk $0xffff, v5  }
0x40: {  	v6 =	vadd.s32 s22, v0;
	v5 =	vld [tilespmem:s20+$0x4000];
	_ =	sdelay $0x4  }
0x41: {  	s21 =	sadd.s32 $0xFFFFFF58, s13;
	[tilespmem:v6+s11+$0x0] =	vst.idx.msk $0xffff, v5  }
0x42: {  	v6 =	vadd.s32 s21, v0;
	v5 =	vld [tilespmem:s20+$0x4010];
	_ =	sdelay $0x4  }
0x43: {  	s21 =	sadd.s32 $0xFFFFFF68, s13;
	[tilespmem:v6+s11+$0x0] =	vst.idx.msk $0xffff, v5  }
0x44: {  	v6 =	vadd.s32 s21, v0;
	v5 =	vld [tilespmem:s20+$0x4020];
	_ =	sdelay $0x4  }
0x45: {  	s21 =	sadd.s32 $0xFFFFFF78, s13;
	[tilespmem:v6+s11+$0x0] =	vst.idx.msk $0xffff, v5  }
0x46: {  	v6 =	vadd.s32 s21, v0;
	v5 =	vld [tilespmem:s20+$0x4030];
	_ =	sdelay $0x4  }
0x47: {  	s21 =	sadd.s32 $0xFFFFFF88, s13;
	[tilespmem:v6+s11+$0x0] =	vst.idx.msk $0xffff, v5  }
0x48: {  	v6 =	vadd.s32 s21, v0;
	v5 =	vld [tilespmem:s20+$0x4040];
	_ =	sdelay $0x4  }
0x49: {  	s21 =	sadd.s32 $0xFFFFFF98, s13;
	[tilespmem:v6+s11+$0x0] =	vst.idx.msk $0xffff, v5  }
0x4a: {  	v6 =	vadd.s32 s21, v0;
	v5 =	vld [tilespmem:s20+$0x4050];
	_ =	sdelay $0x4  }
0x4b: {  	s21 =	sadd.s32 $0xFFFFFFA8, s13;
	[tilespmem:v6+s11+$0x0] =	vst.idx.msk $0xffff, v5  }
0x4c: {  	v6 =	vadd.s32 s21, v0;
	v5 =	vld [tilespmem:s20+$0x4060];
	_ =	sdelay $0x4  }
0x4d: {  	s21 =	sadd.s32 $0xFFFFFFB8, s13;
	[tilespmem:v6+s11+$0x0] =	vst.idx.msk $0xffff, v5  }
0x4e: {  	v6 =	vadd.s32 s21, v0;
	v5 =	vld [tilespmem:s20+$0x4070];
	_ =	sdelay $0x4  }
0x4f: {  	s21 =	sadd.s32 $0xFFFFFFC8, s13;
	[tilespmem:v6+s11+$0x0] =	vst.idx.msk $0xffff, v5  }
0x50: {  	v6 =	vadd.s32 s21, v0;
	v5 =	vld [tilespmem:s20+$0x4400];
	_ =	sdelay $0x4  }
0x51: {  	s21 =	sadd.s32 $0xFFFFFFD8, s13;
	[tilespmem:v6+s11+$0x0] =	vst.idx.msk $0xffff, v5  }
0x52: {  	v6 =	vadd.s32 s21, v0;
	v5 =	vld [tilespmem:s20+$0x4410];
	_ =	sdelay $0x4  }
0x53: {  	s21 =	sadd.s32 $0xFFFFFFE8, s13;
	[tilespmem:v6+s11+$0x0] =	vst.idx.msk $0xffff, v5  }
0x54: {  	v6 =	vadd.s32 s21, v0;
	v5 =	vld [tilespmem:s20+$0x4420];
	_ =	sdelay $0x3  }
0x55: {  	v3 =	vshll.u32 v3, $0x8  }
0x56: {  	v3 =	vand.u32 $0x7800, v3;
	v4 =	vand.u32 $0x380, v4;
	s21 =	sadd.s32 $0xFFFFFFF8, s13;
	[tilespmem:v6+s11+$0x0] =	vst.idx.msk $0xffff, v5  }
0x57: {  	v3 =	vor.u32 v4, v3;
	v6 =	vadd.s32 s21, v0;
	v5 =	vld [tilespmem:s20+$0x4430]  }
0x58: {  	v3 =	vor.u32 v2, v3;
	_ =	sdelay $0x3  }
0x59: {  	[tilespmem:v6+s11+$0x0] =	vst.idx.msk $0xffff, v5  }
0x5a: {  	v4 =	vld.idx.msk [tilespmem:v3+s9+$0x0], $0xffff  }
0x5b: {  	v5 =	vadd.s32 s13, v0;
	s13 =	smov.u32 s18  }
.Ltmp0:
0x5c: {  	(pc) =	sbr.rel @p0 .LBB2_2-.Ltmp0, $3  }
0x5d: {  	_ =	sdelay $0x1  }
0x5e: {  	s17 =	sadd.s32 $0x1, s17;
	s14 =	sadd.s32 $0x14, s14  }
0x5f: {  	s19 =	sadd.s32 $0x80, s19;
	s20 =	sadd.s32 $0xFFFFFFFC, s14;
	s18 =	sadd.s32 $0xC8, s18;
	v3 =	vmov s17;
	[tilespmem:v5+s11+$0x0] =	vst.idx.msk $0xffff, v4  }
0x60: {  	v4 =	vld [tilespmem:s19+$0x0];
	v5 =	vadd.s32 s20, v0;
	v6 =	vshll.u32 v3, $0x7  }
0x61: {  	v7 =	vor.u32 v1, v6;
	_ =	sdelay $0x3  }
0x62: {  	[tilespmem:v5+s10+$0x0] =	vst.idx.msk $0xffff, v4  }
0x63: {  	v49 =	vadd.s32 s14, v0;
	v4 =	vld.idx.msk [tilespmem:v7+s2+$0x0], $0xffff;
	_ =	sdelay $0x2  }
0x64: {  	s17 =	sadd.s32 $0x80, s15;
	s18 =	sadd.s32 $0x100, s16  }
0x65: {  	s15 =	sand.u32 $0x7800, s18;
	s14 =	sand.u32 $0x380, s17  }
0x66: {  	s19 =	sadd.s32 $0xFFFFFF48, s13;
	s14 =	sor.u32 s14, s15;
	[tilespmem:v49+s10+$0x0] =	vst.idx.msk $0xffff, v4  }
0x67: {  	v50 =	vadd.s32 s19, v0;
	v4 =	vld [tilespmem:s14+$0x4000];
	_ =	sdelay $0x4  }
0x68: {  	s20 =	sadd.s32 $0xFFFFFF58, s13;
	[tilespmem:v50+s11+$0x0] =	vst.idx.msk $0xffff, v4  }
0x69: {  	v51 =	vadd.s32 s20, v0;
	v4 =	vld [tilespmem:s14+$0x4010];
	_ =	sdelay $0x4  }
0x6a: {  	s21 =	sadd.s32 $0xFFFFFF68, s13;
	[tilespmem:v51+s11+$0x0] =	vst.idx.msk $0xffff, v4  }
0x6b: {  	v52 =	vadd.s32 s21, v0;
	v4 =	vld [tilespmem:s14+$0x4020];
	_ =	sdelay $0x4  }
0x6c: {  	s22 =	sadd.s32 $0xFFFFFF78, s13;
	[tilespmem:v52+s11+$0x0] =	vst.idx.msk $0xffff, v4  }
0x6d: {  	v53 =	vadd.s32 s22, v0;
	v4 =	vld [tilespmem:s14+$0x4030];
	_ =	sdelay $0x4  }
0x6e: {  	s23 =	sadd.s32 $0xFFFFFF88, s13;
	[tilespmem:v53+s11+$0x0] =	vst.idx.msk $0xffff, v4  }
0x6f: {  	v54 =	vadd.s32 s23, v0;
	v4 =	vld [tilespmem:s14+$0x4040];
	_ =	sdelay $0x4  }
0x70: {  	s24 =	sadd.s32 $0xFFFFFF98, s13;
	[tilespmem:v54+s11+$0x0] =	vst.idx.msk $0xffff, v4  }
0x71: {  	v55 =	vadd.s32 s24, v0;
	v4 =	vld [tilespmem:s14+$0x4050];
	_ =	sdelay $0x4  }
0x72: {  	s25 =	sadd.s32 $0xFFFFFFA8, s13;
	[tilespmem:v55+s11+$0x0] =	vst.idx.msk $0xffff, v4  }
0x73: {  	v56 =	vadd.s32 s25, v0;
	v4 =	vld [tilespmem:s14+$0x4060];
	_ =	sdelay $0x4  }
0x74: {  	s26 =	sadd.s32 $0xFFFFFFB8, s13;
	[tilespmem:v56+s11+$0x0] =	vst.idx.msk $0xffff, v4  }
0x75: {  	v57 =	vadd.s32 s26, v0;
	v4 =	vld [tilespmem:s14+$0x4070];
	_ =	sdelay $0x4  }
0x76: {  	s28 =	sadd.s32 $0xFFFFFFC8, s13;
	[tilespmem:v57+s11+$0x0] =	vst.idx.msk $0xffff, v4  }
0x77: {  	v58 =	vadd.s32 s28, v0;
	v4 =	vld [tilespmem:s14+$0x4400];
	_ =	sdelay $0x4  }
0x78: {  	s29 =	sadd.s32 $0xFFFFFFD8, s13;
	[tilespmem:v58+s11+$0x0] =	vst.idx.msk $0xffff, v4  }
0x79: {  	v59 =	vadd.s32 s29, v0;
	v4 =	vld [tilespmem:s14+$0x4410];
	_ =	sdelay $0x4  }
0x7a: {  	s30 =	sadd.s32 $0xFFFFFFE8, s13;
	[tilespmem:v59+s11+$0x0] =	vst.idx.msk $0xffff, v4  }
0x7b: {  	v60 =	vadd.s32 s30, v0;
	v4 =	vld [tilespmem:s14+$0x4420];
	_ =	sdelay $0x3  }
0x7c: {  	v3 =	vshll.u32 v3, $0x8  }
0x7d: {  	s31 =	sadd.s32 $0xFFFFFFF8, s13;
	v3 =	vand.u32 $0x7800, v3;
	v61 =	vand.u32 $0x380, v6;
	[tilespmem:v60+s11+$0x0] =	vst.idx.msk $0xffff, v4  }
0x7e: {  	v62 =	vadd.s32 s31, v0;
	v3 =	vor.u32 v61, v3;
	v5 =	vld [tilespmem:s14+$0x4430]  }
0x7f: {  	v3 =	vor.u32 v2, v3;
	_ =	sdelay $0x3  }
0x80: {  	[tilespmem:v62+s11+$0x0] =	vst.idx.msk $0xffff, v5  }
0x81: {  	v63 =	vadd.s32 s13, v0;
	v3 =	vld.idx.msk [tilespmem:v3+s9+$0x0], $0xffff;
	_ =	sdelay $0x4  }
0x82: {  	[tilespmem:v63+s11+$0x0] =	vst.idx.msk $0xffff, v3  }
0x83: {  	[hbm4b:s5+s2] =	stream.linear.scatter [tilespmem:s10], [sflag:$0x1], $0xA00, $0x38;
	[tilespmem:$0x12E00] =	vst v63  }
0x84: {  	s12 =	sadd.s32 $0x1, s12;
	_ =	swait.ge [sflag:s8], $0xA00  }
0x85: {  	p0 =	sne.s32 s12, s7;
	[sflag:s8] =	ssyncset.done $0x0  }
.Ltmp1:
0x86: {  	[sflag:s8] =	ssyncadd.s32 $0xFFFFF600;
	(pc) =	sbr.rel @p0 .LBB2_1-.Ltmp1, $4  }
0x87: {  	[hbm4b:s6+s2] =	stream.linear.scatter [tilespmem:s11], [sflag:$0x1], $0x6400, $0x38;
	[tilespmem:$0x12E00] =	vst v63  }
0x88: {  	_ =	swait.ge [sflag:s8], $0x6400  }
0x89: {  	[sflag:s8] =	ssyncset.done $0x0  }
0x8a: {  	[sflag:s8] =	ssyncadd.s32 $0xFFFF9C00  }
0x8b: {  	_ =	sfence.sel $0x180000  }
0x8c: {  	[bflag:$0x0] =	sbarrier.arrive $0xFFFF  }
0x8d: {  	p0 =	sne.s32 s0, $0x0;
	_ =	strace $0x90000047  }
0x8e: {  	s0 =	sadd.s32 @!p0 $0x100000, s1;
	[bflag:$0x2] =	sbarrier.arrive $0xFFFF  }
0x8f: {  	[sflag:s0] =	ssyncadd.tile.s32 @!p0 $0x1;
	_ =	shalt  }
.Lfunc_end2:
_tile_overlayer_lowered:
.L_overlay_start_2:
0x90: {  	(tag) =	ssettag $0x2  }
0x91: {  	s0 =	rddreg [dreg:$0x0];
	s2 =	stileid.u32  }
0x92: {  	s1 =	rddreg [dreg:$0x1];
	p0 =	sne.s32 s2, $0x0  }
0x93: {  	s3 =	rddreg [dreg:$0x2];
	[bflag:$0x3] =	sbarrier.arrive $0xFFFF;
	s2 =	simm.s32 @!p0 $0x1C01  }
0x94: {  	[timem:s3], [sflag:s2] =	dma.local @!p0 [hbm:s0], s1  }
0x95: {  	s0 =	simm.s32 @!p0 $0x1  }
0x96: {  	_ =	swait.ge @!p0 [sflag:s0], s1  }
0x97: {  	s1 =	ssub.s32 @!p0 $0x0, s1;
	[sflag:s0] =	ssyncset.done @!p0 $0x0  }
0x98: {  	[sflag:s0] =	ssyncadd.s32 @!p0 s1  }
0x99: {  	[bflag:$0x3] =	sbarrier.arrive $0xFFFF  }
0x9a: {  	_ =	shalt  }

// kernel: kernel.8.cloned.1.call-start
scs
__scs_entry_jumppad:
0x0: {  	(pc) =	sbr.rel $0x88, $3  }
0x1: {  	(tag) =	ssettag $0x0;
	lr =	simm.s32 $0x1  }
0x2: {  	[smem:$0x3F99] =	sst lr;
	_ =	strace $0xD0000000  }
0x3: {  	_ = 	snop  }
0x4: {  	_ = 	snop  }
0x5: {  	_ = 	snop  }
0x6: {  	_ = 	snop  }
0x7: {  	_ = 	snop  }
__scs_overlays_trampoline_lowered:
0x8: {  	[smem:$0x3FA8] =	sst s0  }
0x9: {  	[smem:$0x3FA9] =	sst s1  }
0xa: {  	[smem:$0x3FAA] =	sst s2  }
0xb: {  	[smem:$0x3FAB] =	sst s3  }
0xc: {  	[smem:$0x3FAC] =	sst s4  }
0xd: {  	[smem:$0x3FAD] =	sst s5  }
0xe: {  	[smem:$0x3FAE] =	sst s6  }
0xf: {  	[smem:$0x3FAF] =	sst s7  }
0x10: {  	[smem:$0x3FB0] =	sst s8  }
0x11: {  	[smem:$0x3FB1] =	sst s9;
	s0 =	simm.s32 @!p0 $0x0  }
0x12: {  	s1 =	sld [smem:$0x3F97];
	s0 =	simm.s32 @p0 $0x1  }
0x13: {  	[smem:$0x3FB2] =	sst s0;
	s0 =	simm.s32 @!p1 $0x0  }
0x14: {  	s2 =	sld [smem:$0x3F96];
	s0 =	simm.s32 @p1 $0x1  }
0x15: {  	[smem:$0x3FB3] =	sst s0;
	s0 =	simm.s32 @!p2 $0x0  }
0x16: {  	s3 =	sld [smem:$0x3FDB];
	s0 =	simm.s32 @p2 $0x1  }
0x17: {  	s4 =	simm.s32 $0x1BF5;
	[smem:$0x3FB5] =	sst s0  }
0x18: {  	s0 =	sld [smem:$0x3F98];
	_ =	swait.ge [sflag:s4], $0x0  }
0x19: {  	s7 =	sld [smem:$0x3F99]  }
0x1a: {  	s8 =	sadd.s32 $0xFFFFE003, lr  }
0x1b: {  	s9 =	sadd.s32 $0xFFFFFEF7, lr;
	s5 =	simm.s32 $0xFFFFFFFF;
	p2 =	slt.u32 s8, $0xFFFFF086  }
0x1c: {  	p1 =	slt.u32 s9, $0xF7A;
	s5 =	simm.s32 @!p2 $0x0  }
0x1d: {  	s5 =	simm.s32 @p1 $0x1;
	p0 =	seq.s32 s7, s2  }
0x1e: {  	s7 =	smul.u32 @!p0 $0xF7A, s2;
	p2 =	seq.s32 @!p0 s5, $0x0  }
0x1f: {  	s9 =	smul.u32 $0xF7A, s1;
	s8 =	simm.s32 @!p0 $0x1BF5;
	p2 =	por !p2, p0  }
0x20: {  	[sflag:s8] =	ssyncset.s32 @!p0 $0xFFFFF086;
	s6 =	sadd.s32 @!p0 s3, s7;
	s7 =	simm.s32 @!p0 $0x108  }
0x21: {  	s3 =	sadd.s32 s3, s9;
	s6 =	sadd.s32 @!p0 $0x88, s6;
	s7 =	simm.s32 @p2 $0x1082  }
0x22: {  	[simem:s7], [sflag:s8] =	dma.local @!p0 [hbm:s6], $0xF7A  }
0x23: {  	s9 =	sor.u32 $0xD0000000, s2;
	s6 =	simm.s32 $0x108;
	_ =	swait.ge @!p0 [sflag:s8], $0x0  }
0x24: {  	s3 =	sadd.s32 $0x88, s3;
	s6 =	simm.s32 @!p1 $0x1082;
	[sflag:s4] =	ssyncset.s32 $0xFFFFF086  }
0x25: {  	[simem:s6], [sflag:s4] =	dma.local [hbm:s3], $0xF7A  }
0x26: {  	[smem:$0x3F99] =	sst s1;
	(tag) =	ssettag s2;
	_ =	strace s9  }
0x27: {  	s1 =	sld [smem:$0x3FA9]  }
0x28: {  	s2 =	sld [smem:$0x3FAA]  }
0x29: {  	s4 =	sld [smem:$0x3FAC]  }
0x2a: {  	p0 =	seq.s32 s5, $0x0;
	s5 =	sld [smem:$0x3FAD]  }
0x2b: {  	s6 =	sld [smem:$0x3FAE]  }
0x2c: {  	s7 =	sld [smem:$0x3FAF]  }
0x2d: {  	s3 =	simm.s32 $0x108;
	s8 =	sld [smem:$0x3FB0]  }
0x2e: {  	s3 =	simm.s32 @!p0 $0x1082;
	s9 =	sld [smem:$0x3FB1]  }
0x2f: {  	lr =	sadd.s32 s0, s3;
	s0 =	sld [smem:$0x3FA8]  }
0x30: {  	s3 =	sld [smem:$0x3FAB]  }
0x31: {  	[smem:$0x3FB4] =	sst s10  }
0x32: {  	s10 =	sld [smem:$0x3FB2];
	_ =	sdelay $0x3  }
0x33: {  	p0 =	seq.s32 s10, $0x1;
	s10 =	sld [smem:$0x3FB4];
	_ =	sdelay $0x3  }
0x34: {  	[smem:$0x3FB4] =	sst s10  }
0x35: {  	s10 =	sld [smem:$0x3FB3];
	_ =	sdelay $0x3  }
0x36: {  	p1 =	seq.s32 s10, $0x1;
	s10 =	sld [smem:$0x3FB4];
	_ =	sdelay $0x3  }
0x37: {  	[smem:$0x3FB4] =	sst s10  }
0x38: {  	s10 =	sld [smem:$0x3FB5]  }
0x39: {  	_ = 	snop;
	(pc) =	sbr.ind lr, $3  }
0x3a: {  	_ = 	snop  }
0x3b: {  	_ = 	snop  }
0x3c: {  	p2 =	seq.s32 s10, $0x1;
	s10 =	sld [smem:$0x3FB4]  }
0x3d: {  	_ =	shalt  }
0x3e: {  	_ =	shalt  }
0x3f: {  	_ =	shalt  }
0x40: {  	_ =	shalt  }
0x41: {  	_ =	shalt  }
0x42: {  	_ =	shalt  }
0x43: {  	_ =	shalt  }
0x44: {  	_ =	shalt  }
0x45: {  	_ =	shalt  }
0x46: {  	_ =	shalt  }
0x47: {  	_ =	shalt  }
0x48: {  	_ =	shalt  }
0x49: {  	_ =	shalt  }
0x4a: {  	_ =	shalt  }
0x4b: {  	_ =	shalt  }
0x4c: {  	_ =	shalt  }
0x4d: {  	_ =	shalt  }
0x4e: {  	_ =	shalt  }
0x4f: {  	_ =	shalt  }
0x50: {  	_ =	shalt  }
0x51: {  	_ =	shalt  }
0x52: {  	_ =	shalt  }
0x53: {  	_ =	shalt  }
0x54: {  	_ =	shalt  }
0x55: {  	_ =	shalt  }
0x56: {  	_ =	shalt  }
0x57: {  	_ =	shalt  }
0x58: {  	_ =	shalt  }
0x59: {  	_ =	shalt  }
0x5a: {  	_ =	shalt  }
0x5b: {  	_ =	shalt  }
0x5c: {  	_ =	shalt  }
0x5d: {  	_ =	shalt  }
0x5e: {  	_ =	shalt  }
0x5f: {  	_ =	shalt  }
0x60: {  	_ =	shalt  }
0x61: {  	_ =	shalt  }
0x62: {  	_ =	shalt  }
0x63: {  	_ =	shalt  }
0x64: {  	_ =	shalt  }
0x65: {  	_ =	shalt  }
0x66: {  	_ =	shalt  }
0x67: {  	_ =	shalt  }
0x68: {  	_ =	shalt  }
0x69: {  	_ =	shalt  }
0x6a: {  	_ =	shalt  }
0x6b: {  	_ =	shalt  }
0x6c: {  	_ =	shalt  }
0x6d: {  	_ =	shalt  }
0x6e: {  	_ =	shalt  }
0x6f: {  	_ =	shalt  }
0x70: {  	_ =	shalt  }
0x71: {  	_ =	shalt  }
0x72: {  	_ =	shalt  }
0x73: {  	_ =	shalt  }
0x74: {  	_ =	shalt  }
0x75: {  	_ =	shalt  }
0x76: {  	_ =	shalt  }
0x77: {  	_ =	shalt  }
0x78: {  	_ =	shalt  }
0x79: {  	_ =	shalt  }
0x7a: {  	_ =	shalt  }
0x7b: {  	_ =	shalt  }
0x7c: {  	_ =	shalt  }
0x7d: {  	_ =	shalt  }
0x7e: {  	_ =	shalt  }
0x7f: {  	_ =	shalt  }
0x80: {  	_ =	shalt  }
0x81: {  	_ =	shalt  }
0x82: {  	_ =	shalt  }
0x83: {  	_ =	shalt  }
0x84: {  	_ =	shalt  }
0x85: {  	_ =	shalt  }
0x86: {  	_ =	shalt  }
0x87: {  	_ =	shalt  }
.Lfunc_end0:
.L_simem_size_0:
called_computation.1_lowered:
.L_overlay_start_0:
0x88: {  	s2 =	sld [smem:$0x3FD9]  }
0x89: {  	s3 =	sld [smem:$0x3FFE];
	_ =	sdelay $0x1  }
0x8a: {  	s1 =	srdreg.scid  }
0x8b: {  	s0 =	sand.u32 $0x1, s1  }
0x8c: {  	s17 =	sshll.u32 s0, $0xA;
	s2 =	sadd.s32 s3, s2  }
0x8d: {  	s2 =	sadd.s32 s2, s17  }
0x8e: {  	[smem:$0x3FC0] =	sst s2  }
0x8f: {  	_ = 	snop  }
0x90: {  	s2 =	sld [smem:$0x3FD0];
	(tm) =	ssettm $0x1  }
0x91: {  	s18 =	sld [smem:$0x3FFB];
	_ =	sdelay $0x3  }
0x92: {  	_ =	strace s18  }
0x93: {  	s3 =	sld [smem:$0x3FFC];
	_ =	sdelay $0x3  }
0x94: {  	_ =	strace s3  }
0x95: {  	s3 =	sld [smem:$0x3FFD];
	_ =	sdelay $0x3  }
0x96: {  	_ =	strace s3  }
0x97: {  	_ =	strace $0x8FFFFFFF  }
0x98: {  	s19 =	sld [smem:$0x3FDB];
	_ =	sdelay $0x1  }
0x99: {  	s4 =	simm.s32 $_scs_section_size  }
0x9a: {  	s5 =	simm.s32 $_size__tile_overlayer_lowered;
	s6 =	simm.s32 $_tile_overlayer_lowered  }
0x9b: {  	s22 =	simm.s32 $0x1BFF;
	s21 =	sshll.u32 s6, $0x1;
	s3 =	sadd.s32 s4, s19  }
0x9c: {  	s7 =	simm.s32 $0x0;
	s20 =	sshll.u32 s5, $0x1;
	s5 =	sadd.s32 s21, s3  }
0x9d: {  	[timem:s7], [sflag:s22] =	dma.local [hbm:s5], s20  }
0x9e: {  	_ =	swait.ge [sflag:s22], s20  }
0x9f: {  	s4 =	ssub.s32 $0x0, s20;
	[sflag:s22] =	ssyncset.done $0x0  }
0xa0: {  	[sflag:s22] =	ssyncadd.s32 s4;
	_ =	sdelay $0x1  }
0xa1: {  	s23 =	simm.s32 $0x1B8B  }
0xa2: {  	_ =	swait.ge [sflag:s23], $0x1  }
0xa3: {  	[sflag:s23] =	ssyncset.done $0x0  }
0xa4: {  	s25 =	simm.s32 $0x1B8E;
	s24 =	sld [smem:$0x3FFE];
	[sflag:s23] =	ssyncadd.s32 $0xFFFFFFFF  }
0xa5: {  	s26 =	simm.s32 $execute0_lowered;
	[smem:$0x3FD2] =	sst s25  }
0xa6: {  	s5 =	sshll.u32 s26, $0x1;
	_ =	strace $0x80000049;
	[dreg:$0x1] =	wrdreg $0xFFFFFFFF  }
0xa7: {  	s28 =	simm.s32 $_size_execute0_lowered;
	s3 =	sadd.s32 s3, s5;
	[dreg:$0x0] =	wrdreg $0x0  }
0xa8: {  	s5 =	sshll.u32 s28, $0x1;
	[dreg:$0x2] =	wrdreg s3  }
0xa9: {  	[dreg:$0x3] =	wrdreg s5  }
0xaa: {  	[dreg:$0x4] =	wrdreg $0xC0  }
0xab: {  	_ =	task [dreg:s7], $0x5FFFF  }
0xac: {  	[dreg:$0x1] =	wrdreg $0xFFFFFFFF  }
0xad: {  	[dreg:$0x0] =	wrdreg $0x60  }
0xae: {  	[dreg:$0x2] =	wrdreg s24  }
0xaf: {  	[dreg:$0x3] =	wrdreg s2  }
0xb0: {  	[dreg:$0x4] =	wrdreg $0x9  }
0xb1: {  	_ =	task.clear_ibuf [dreg:s7], $0x5FFFF;
	_ =	strace $0x90000049  }
0xb2: {  	s29 =	simm.s32 $0x9;
	_ =	strace $0x8000004B  }
0xb3: {  	_ =	swait.ge [sflag:s29], $0x1  }
0xb4: {  	[sflag:s29] =	ssyncadd.s32 $0xFFFFFFFF  }
0xb5: {  	_ =	strace $0x9000004B  }
0xb6: {  	_ =	sfence  }
0xb7: {  	s30 =	sld [smem:$0x0];
	_ =	sdelay $0x2  }
0xb8: {  	s31 =	sshll.u32 s1, $0xD;
	s1 =	sshrl.u32 s1, $0x2  }
0xb9: {  	s3 =	sand.u32 $0x4000, s31;
	s1 =	sadd.s32 s1, s30  }
0xba: {  	s0 =	sor.u32 s3, s0;
	s1 =	sshll.u32 s1, $0x11  }
0xbb: {  	s0 =	sor.u32 s1, s0  }
0xbc: {  	s0 =	sadd.s32 $0x8F2B, s0  }
0xbd: {  	[sflag:s0] =	ssyncadd.remote.s32 $0x1  }
0xbe: {  	_ =	sfence.sel $0xFFFF  }
0xbf: {  	[dreg:$0x0] =	wrdreg $0xFFFFFFFF;
	(pc) =	sbr.abs _section_cstart, $3  }
0xc0: {  	[dreg:$0x1] =	wrdreg $0xFFFFFFFF  }
0xc1: {  	_ =	task.clear_ibuf [dreg:s7], $0x2FFFF;
	_ =	strace $0x9FFFFFFF  }
0xc2: {  	(tm) =	ssettm $0x7FFFFFFF  }
0xc3: {  	_ =	shalt  }
tec
execute0_lowered:
.L_overlay_start_1:
0x0: {  	(tag) =	ssettag $0x1  }
0x1: {  	s1 =	srdreg.scid;
	s4 =	rddreg [dreg:$0x0]  }
0x2: {  	s0 =	stileid.u32;
	s7 =	rddreg [dreg:$0x1]  }
0x3: {  	s2 =	simm.s32 $0x0;
	s11 =	simm.s32 $0x28;
	s12 =	simm.s32 $0x6E00  }
0x4: {  	s13 =	simm.s32 $0x190;
	s14 =	simm.s32 $0x7800;
	s15 =	simm.s32 $0xDC00  }
0x5: {  	s16 =	simm.s32 $0xE600;
	s17 =	simm.s32 $0x1;
	s18 =	simm.s32 $0x2  }
0x6: {  	s19 =	simm.s32 $0x14A00;
	s3 =	sand.u32 $0x1, s1;
	s1 =	rddreg [dreg:$0x2]  }
0x7: {  	s20 =	simm.s32 $0x0;
	s30 =	sshll.u32 s0, $0x1;
	[smem:$0x7FF] =	sst s2  }
0x8: {  	s6 =	sor.u32 s3, s30;
	_ =	strace $0x8000004A;
	s9 =	ssub.s32 $0x2, s3  }
0x9: {  	s3 =	sadd.s32 $0x1710400, s4;
	s5 =	smul.u32 $0x140, s6;
	s10 =	sshrl.u32 s9, $0x1  }
0xa: {  	s8 =	smul.u32 $0xC80, s6;
	s31 =	sshll.u32 s6, $0xB;
	s9 =	ssub.s32 s9, s10  }
0xb: {  	s7 =	sadd.s32 s7, s31;
	s10 =	simm.s32 $0xA00;
	s5 =	sadd.s32 s5, s4  }
0xc: {  	s8 =	sadd.s32 s8, s4;
	s4 =	sadd.s32 $0xF6F200, s4;
	s5 =	sadd.s32 $0x11600, s5  }
0xd: {  	s6 =	sadd.s32 $0x13E00, s8;
	s8 =	smax.u32 s9, $0x1;
	s9 =	simm.s32 $0x3  }
.LBB2_1:
0xe: {  	[tilespmem:s2], [sflag:$0x3] =	stream.linear.gather [hbm4b:s5+s2], $0xA00, $0x38;
	[tilespmem:$0x18A00] =	vst v63  }
0xf: {  	_ =	swait.ge [sflag:s9], $0xA00  }
0x10: {  	[sflag:s9] =	ssyncset.done $0x0  }
0x11: {  	[sflag:s9] =	ssyncadd.s32 $0xFFFFF600  }
0x12: {  	[tilespmem:s10], [sflag:$0x3] =	stream.linear.gather [hbm4b:s6+s2], $0x6400, $0x38;
	[tilespmem:$0x18A00] =	vst v63  }
0x13: {  	_ =	swait.ge [sflag:s9], $0x6400  }
0x14: {  	[sflag:s9] =	ssyncset.done $0x0  }
0x15: {  	[sflag:s9] =	ssyncadd.s32 $0xFFFF9C00  }
0x16: {  	[tilespmem:s12], [sflag:$0x1] =	stream.indirect.gather [hbm4b:s3+s11], $0x40, s2, s11, $0xb8;
	[tilespmem:$0x18A00] =	vst v63  }
0x17: {  	s21 =	simm.s32 $0x0  }
0x18: {  	[tilespmem:s14], [sflag:$0x1] =	stream.indirect.gather [hbm4b:s4+s13], $0x40, s10, s13, $0xb8;
	[tilespmem:$0x18A00] =	vst v63  }
.LBB2_2:
0x19: {  	s22 =	sshllo.u32 s21, $0x1  }
0x1a: {  	s23 =	smul.u32 $0xA0, s22  }
0x1b: {  	s24 =	smul.u32 $0x640, s22;
	_ =	sdelay $0x1  }
0x1c: {  	s23 =	sshra.s32 s23, $0x2;
	s30 =	sshra.s32 s24, $0x2  }
0x1d: {  	[tilespmem:s15], [sflag:$0x2] =	stream.indirect.gather [hbm4b:s3+s11], $0x40, s23, s11, $0xb8;
	[tilespmem:$0x18A00] =	vst v63  }
0x1e: {  	s23 =	sadd.s32 $0xA00, s30  }
0x1f: {  	[tilespmem:s16], [sflag:$0x2] =	stream.indirect.gather [hbm4b:s4+s13], $0x40, s23, s13, $0xb8;
	[tilespmem:$0x18A00] =	vst v63  }
0x20: {  	_ =	swait.ge [sflag:s17], $0xA00  }
0x21: {  	[sflag:s17] =	ssyncset.done $0x0  }
0x22: {  	[sflag:s17] =	ssyncadd.s32 $0xFFFFF600  }
0x23: {  	_ =	swait.ge [sflag:s17], $0x6400  }
0x24: {  	[sflag:s17] =	ssyncset.done $0x0  }
0x25: {  	[sflag:s17] =	ssyncadd.s32 $0xFFFF9C00  }
0x26: {  	v0 =	vld [tilespmem:$0x6E00]  }
0x27: {  	v1 =	vld [tilespmem:$0x6E40]  }
0x28: {  	v2 =	vld [tilespmem:$0x6E10]  }
0x29: {  	v3 =	vld [tilespmem:$0x6E50]  }
0x2a: {  	v4 =	vld [tilespmem:$0x6E20]  }
0x2b: {  	v5 =	vld [tilespmem:$0x6E60]  }
0x2c: {  	v6 =	vld [tilespmem:$0x6E30]  }
0x2d: {  	v7 =	vld [tilespmem:$0x6E70]  }
0x2e: {  	v8 =	vld [tilespmem:$0x6E80]  }
0x2f: {  	v9 =	vld [tilespmem:$0x6EC0]  }
0x30: {  	v10 =	vld [tilespmem:$0x6E90]  }
0x31: {  	v11 =	vld [tilespmem:$0x6ED0]  }
0x32: {  	v12 =	vld [tilespmem:$0x6EA0]  }
0x33: {  	v13 =	vld [tilespmem:$0x6EE0]  }
0x34: {  	v14 =	vld [tilespmem:$0x6EB0]  }
0x35: {  	v15 =	vld [tilespmem:$0x6EF0]  }
0x36: {  	v16 =	vld [tilespmem:$0x6F00]  }
0x37: {  	v17 =	vld [tilespmem:$0x6F40]  }
0x38: {  	v18 =	vld [tilespmem:$0x6F10]  }
0x39: {  	v19 =	vld [tilespmem:$0x6F50]  }
0x3a: {  	v20 =	vld [tilespmem:$0x6F20]  }
0x3b: {  	v21 =	vld [tilespmem:$0x6F60]  }
0x3c: {  	v22 =	vld [tilespmem:$0x6F30]  }
0x3d: {  	v23 =	vld [tilespmem:$0x6F70]  }
0x3e: {  	v24 =	vld [tilespmem:$0x6F80]  }
0x3f: {  	v25 =	vld [tilespmem:$0x6FC0]  }
0x40: {  	v26 =	vld [tilespmem:$0x6F90]  }
0x41: {  	v27 =	vld [tilespmem:$0x6FD0]  }
0x42: {  	v28 =	vld [tilespmem:$0x6FA0]  }
0x43: {  	v29 =	vld [tilespmem:$0x6FE0]  }
0x44: {  	v30 =	vld [tilespmem:$0x6FB0]  }
0x45: {  	v31 =	vld [tilespmem:$0x6FF0]  }
0x46: {  	v32 =	vld [tilespmem:$0x7000]  }
0x47: {  	v33 =	vld [tilespmem:$0x7040]  }
0x48: {  	v34 =	vld [tilespmem:$0x7010]  }
0x49: {  	v35 =	vld [tilespmem:$0x7050]  }
0x4a: {  	v36 =	vld [tilespmem:$0x7020]  }
0x4b: {  	v37 =	vld [tilespmem:$0x7060]  }
0x4c: {  	v38 =	vld [tilespmem:$0x7030]  }
0x4d: {  	v39 =	vld [tilespmem:$0x7070]  }
0x4e: {  	v40 =	vld [tilespmem:$0x7080]  }
0x4f: {  	v41 =	vld [tilespmem:$0x70C0]  }
0x50: {  	v42 =	vld [tilespmem:$0x7090]  }
0x51: {  	v43 =	vld [tilespmem:$0x70D0];
	v0 =	vadd.f32 $0.0e+00, v0  }
0x52: {  	v44 =	vld [tilespmem:$0x70A0];
	v2 =	vadd.f32 $0.0e+00, v2  }
0x53: {  	v49 =	vld [tilespmem:$0x7160];
	v0 =	vadd.f32 v1, v0;
	v1 =	vadd.f32 $0.0e+00, v4  }
0x54: {  	v50 =	vld [tilespmem:$0x7130];
	v2 =	vadd.f32 v3, v2;
	v3 =	vadd.f32 $0.0e+00, v6  }
0x55: {  	v51 =	vld [tilespmem:$0x7170];
	v1 =	vadd.f32 v5, v1;
	v0 =	vadd.f32 v8, v0  }
0x56: {  	v52 =	vld [tilespmem:$0x7180];
	v3 =	vadd.f32 v7, v3;
	v2 =	vadd.f32 v10, v2  }
0x57: {  	v53 =	vld [tilespmem:$0x71C0];
	v0 =	vadd.f32 v9, v0;
	v1 =	vadd.f32 v12, v1  }
0x58: {  	v54 =	vld [tilespmem:$0x7190];
	v2 =	vadd.f32 v11, v2;
	v3 =	vadd.f32 v14, v3  }
0x59: {  	v55 =	vld [tilespmem:$0x71D0];
	v1 =	vadd.f32 v13, v1;
	v0 =	vadd.f32 v16, v0  }
0x5a: {  	v56 =	vld [tilespmem:$0x71A0];
	v3 =	vadd.f32 v15, v3;
	v2 =	vadd.f32 v18, v2  }
0x5b: {  	v57 =	vld [tilespmem:$0x71E0];
	v0 =	vadd.f32 v17, v0;
	v1 =	vadd.f32 v20, v1  }
0x5c: {  	v58 =	vld [tilespmem:$0x71B0];
	v2 =	vadd.f32 v19, v2;
	v3 =	vadd.f32 v22, v3  }
0x5d: {  	v59 =	vld [tilespmem:$0x71F0];
	v1 =	vadd.f32 v21, v1;
	v0 =	vadd.f32 v24, v0  }
0x5e: {  	v60 =	vld [tilespmem:$0x7200];
	v3 =	vadd.f32 v23, v3;
	v2 =	vadd.f32 v26, v2  }
0x5f: {  	v61 =	vld [tilespmem:$0x7240];
	v0 =	vadd.f32 v25, v0;
	v1 =	vadd.f32 v28, v1  }
0x60: {  	v4 =	vld [tilespmem:$0x70E0];
	v2 =	vadd.f32 v27, v2;
	v3 =	vadd.f32 v30, v3  }
0x61: {  	v6 =	vld [tilespmem:$0x70B0];
	v1 =	vadd.f32 v29, v1;
	v0 =	vadd.f32 v32, v0  }
0x62: {  	v5 =	vld [tilespmem:$0x70F0];
	v3 =	vadd.f32 v31, v3;
	v2 =	vadd.f32 v34, v2  }
0x63: {  	v7 =	vld [tilespmem:$0x7100];
	v0 =	vadd.f32 v33, v0;
	v1 =	vadd.f32 v36, v1  }
0x64: {  	v8 =	vld [tilespmem:$0x7140];
	v2 =	vadd.f32 v35, v2;
	v3 =	vadd.f32 v38, v3  }
0x65: {  	v9 =	vld [tilespmem:$0x7110];
	v1 =	vadd.f32 v37, v1;
	v0 =	vadd.f32 v40, v0  }
0x66: {  	v11 =	vld [tilespmem:$0x7120];
	v3 =	vadd.f32 v39, v3;
	v2 =	vadd.f32 v42, v2  }
0x67: {  	v10 =	vld [tilespmem:$0x7150];
	v0 =	vadd.f32 v41, v0;
	v1 =	vadd.f32 v44, v1  }
0x68: {  	v62 =	vld [tilespmem:$0x7290];
	v2 =	vadd.f32 v43, v2;
	v3 =	vadd.f32 v6, v3  }
0x69: {  	v63 =	vld [tilespmem:$0x72D0];
	v1 =	vadd.f32 v4, v1;
	v0 =	vadd.f32 v7, v0  }
0x6a: {  	v6 =	vld [tilespmem:$0x7210];
	v3 =	vadd.f32 v5, v3;
	v2 =	vadd.f32 v9, v2  }
0x6b: {  	v4 =	vld [tilespmem:$0x7250];
	v0 =	vadd.f32 v8, v0;
	v1 =	vadd.f32 v11, v1  }
0x6c: {  	v5 =	vld [tilespmem:$0x7220];
	v2 =	vadd.f32 v10, v2;
	v3 =	vadd.f32 v50, v3  }
0x6d: {  	v7 =	vld [tilespmem:$0x7260];
	v1 =	vadd.f32 v49, v1;
	v0 =	vadd.f32 v52, v0  }
0x6e: {  	v9 =	vld [tilespmem:$0x7270];
	v3 =	vadd.f32 v51, v3;
	v2 =	vadd.f32 v54, v2  }
0x6f: {  	v8 =	vld [tilespmem:$0x7230];
	v0 =	vadd.f32 v53, v0;
	v1 =	vadd.f32 v56, v1  }
0x70: {  	v10 =	vld [tilespmem:$0x7280];
	v2 =	vadd.f32 v55, v2;
	v3 =	vadd.f32 v58, v3  }
0x71: {  	v11 =	vld [tilespmem:$0x72C0];
	v1 =	vadd.f32 v57, v1;
	v0 =	vadd.f32 v60, v0  }
0x72: {  	v3 =	vadd.f32 v59, v3;
	v2 =	vadd.f32 v6, v2;
	v6 =	vld [tilespmem:$0x72A0]  }
0x73: {  	v0 =	vadd.f32 v61, v0;
	v1 =	vadd.f32 v5, v1;
	v5 =	vld [tilespmem:$0x72B0]  }
0x74: {  	v2 =	vadd.f32 v4, v2;
	v3 =	vadd.f32 v8, v3;
	v4 =	vld [tilespmem:$0x72E0]  }
0x75: {  	v1 =	vadd.f32 v7, v1;
	v0 =	vadd.f32 v10, v0;
	v7 =	vld [tilespmem:$0x72F0]  }
0x76: {  	v3 =	vadd.f32 v9, v3;
	v2 =	vadd.f32 v62, v2  }
0x77: {  	v0 =	vadd.f32 v11, v0;
	v1 =	vadd.f32 v6, v1  }
0x78: {  	v2 =	vadd.f32 v63, v2;
	v3 =	vadd.f32 v5, v3  }
0x79: {  	s31 =	sshll.u32 s21, $0x9;
	v1 =	vadd.f32 v4, v1;
	v0 =	vmul.f32 $5.000000070e-02, v0  }
0x7a: {  	s23 =	sand.u32 $0x3FFFFE00, s31;
	v2 =	vmul.f32 $5.000000070e-02, v2;
	v3 =	vadd.f32 v7, v3  }
0x7b: {  	[tilespmem:s23+$0x14A00] =	vst v0;
	v0 =	vmul.f32 $5.000000070e-02, v1  }
0x7c: {  	[tilespmem:s23+$0x14A10] =	vst v2;
	v1 =	vmul.f32 $5.000000070e-02, v3  }
0x7d: {  	[tilespmem:s23+$0x14A20] =	vst v0  }
0x7e: {  	s25 =	simm.s32 $0x0;
	[tilespmem:s23+$0x14A30] =	vst v1  }
0x7f: {  	v1 =	vld [tilespmem:s25+$0x7840]  }
0x80: {  	v0 =	vld [tilespmem:s25+$0x7850]  }
0x81: {  	v2 =	vld [tilespmem:s25+$0x7800]  }
0x82: {  	v8 =	vimm.f32 $0.0e+00;
	v3 =	vld [tilespmem:s25+$0x7810]  }
0x83: {  	s26 =	simm.s32 $0x200;
	s24 =	sshll.u32 s21, $0x1;
	v6 =	vimm.f32 $0.0e+00;
	v4 =	vimm.f32 $0.0e+00;
	v7 =	vimm.f32 $0.0e+00;
	v5 =	vld [tilespmem:s25+$0x7820]  }
.LBB2_3:
0x84: {  	p0 =	sne.s32 s26, $0xC600;
	v9 =	vld [tilespmem:s25+$0x7830];
	v10 =	vmov v1  }
0x85: {  	v11 =	vld [tilespmem:s25+$0x7860];
	v12 =	vmov v0  }
0x86: {  	v13 =	vld [tilespmem:s25+$0x7870];
	s25 =	sshra.s32 s26, $0x2  }
.Ltmp0:
0x87: {  	v1 =	vld [tilespmem:s25+$0x7840];
	(pc) =	sbr.rel @p0 .LBB2_3-.Ltmp0, $4  }
0x88: {  	v4 =	vadd.f32 v2, v4;
	v6 =	vadd.f32 v3, v6;
	v0 =	vld [tilespmem:s25+$0x7850]  }
0x89: {  	v8 =	vadd.f32 v5, v8;
	v2 =	vld [tilespmem:s25+$0x7800];
	v7 =	vadd.f32 v9, v7  }
0x8a: {  	v4 =	vadd.f32 v10, v4;
	v6 =	vadd.f32 v12, v6;
	v3 =	vld [tilespmem:s25+$0x7810]  }
0x8b: {  	s26 =	sadd.s32 $0x200, s26;
	v8 =	vadd.f32 v11, v8;
	v5 =	vld [tilespmem:s25+$0x7820];
	v7 =	vadd.f32 v13, v7  }
0x8c: {  	v9 =	vld [tilespmem:s25+$0x7830]  }
0x8d: {  	v10 =	vld [tilespmem:s25+$0x7860]  }
0x8e: {  	v11 =	vld [tilespmem:s25+$0x7870];
	v2 =	vadd.f32 v2, v4  }
0x8f: {  	v3 =	vadd.f32 v3, v6  }
0x90: {  	v4 =	vadd.f32 v5, v8;
	v1 =	vadd.f32 v1, v2  }
0x91: {  	v2 =	vadd.f32 v9, v7;
	v0 =	vadd.f32 v0, v3  }
0x92: {  	v3 =	vadd.f32 v10, v4;
	v1 =	vmul.f32 $4.999999890e-03, v1  }
0x93: {  	v2 =	vadd.f32 v11, v2;
	v0 =	vmul.f32 $4.999999890e-03, v0  }
0x94: {  	[tilespmem:s23+$0x14A40] =	vst v1;
	v1 =	vmul.f32 $4.999999890e-03, v3  }
0x95: {  	[tilespmem:s23+$0x14A50] =	vst v0;
	v0 =	vmul.f32 $4.999999890e-03, v2  }
0x96: {  	[tilespmem:s23+$0x14A60] =	vst v1  }
0x97: {  	[tilespmem:s23+$0x14A70] =	vst v0  }
0x98: {  	v0 =	vld [tilespmem:$0x7300]  }
0x99: {  	v1 =	vld [tilespmem:$0x7340]  }
0x9a: {  	v2 =	vld [tilespmem:$0x7310]  }
0x9b: {  	v3 =	vld [tilespmem:$0x7350]  }
0x9c: {  	v4 =	vld [tilespmem:$0x7320]  }
0x9d: {  	v5 =	vld [tilespmem:$0x7360]  }
0x9e: {  	v6 =	vld [tilespmem:$0x7330]  }
0x9f: {  	v7 =	vld [tilespmem:$0x7370]  }
0xa0: {  	v8 =	vld [tilespmem:$0x7380]  }
0xa1: {  	v9 =	vld [tilespmem:$0x73C0]  }
0xa2: {  	v10 =	vld [tilespmem:$0x7390]  }
0xa3: {  	v11 =	vld [tilespmem:$0x73D0]  }
0xa4: {  	v12 =	vld [tilespmem:$0x73A0]  }
0xa5: {  	v13 =	vld [tilespmem:$0x73E0]  }
0xa6: {  	v14 =	vld [tilespmem:$0x73B0]  }
0xa7: {  	v15 =	vld [tilespmem:$0x73F0]  }
0xa8: {  	v16 =	vld [tilespmem:$0x7400]  }
0xa9: {  	v17 =	vld [tilespmem:$0x7440]  }
0xaa: {  	v18 =	vld [tilespmem:$0x7410]  }
0xab: {  	v19 =	vld [tilespmem:$0x7450]  }
0xac: {  	v20 =	vld [tilespmem:$0x7420]  }
0xad: {  	v21 =	vld [tilespmem:$0x7460]  }
0xae: {  	v22 =	vld [tilespmem:$0x7430]  }
0xaf: {  	v23 =	vld [tilespmem:$0x7470]  }
0xb0: {  	v24 =	vld [tilespmem:$0x7480]  }
0xb1: {  	v25 =	vld [tilespmem:$0x74C0]  }
0xb2: {  	v26 =	vld [tilespmem:$0x7490]  }
0xb3: {  	v27 =	vld [tilespmem:$0x74D0]  }
0xb4: {  	v28 =	vld [tilespmem:$0x74A0]  }
0xb5: {  	v29 =	vld [tilespmem:$0x74E0]  }
0xb6: {  	v30 =	vld [tilespmem:$0x74B0]  }
0xb7: {  	v31 =	vld [tilespmem:$0x74F0]  }
0xb8: {  	v32 =	vld [tilespmem:$0x7500]  }
0xb9: {  	v33 =	vld [tilespmem:$0x7540]  }
0xba: {  	v34 =	vld [tilespmem:$0x7510]  }
0xbb: {  	v35 =	vld [tilespmem:$0x7550]  }
0xbc: {  	v36 =	vld [tilespmem:$0x7520]  }
0xbd: {  	v37 =	vld [tilespmem:$0x7560]  }
0xbe: {  	v38 =	vld [tilespmem:$0x7530]  }
0xbf: {  	v39 =	vld [tilespmem:$0x7570]  }
0xc0: {  	v40 =	vld [tilespmem:$0x7580]  }
0xc1: {  	v41 =	vld [tilespmem:$0x75C0]  }
0xc2: {  	v42 =	vld [tilespmem:$0x7590]  }
0xc3: {  	v43 =	vld [tilespmem:$0x75D0];
	v0 =	vadd.f32 $0.0e+00, v0  }
0xc4: {  	v44 =	vld [tilespmem:$0x75A0];
	v2 =	vadd.f32 $0.0e+00, v2  }
0xc5: {  	v49 =	vld [tilespmem:$0x7660];
	v0 =	vadd.f32 v1, v0;
	v1 =	vadd.f32 $0.0e+00, v4  }
0xc6: {  	v50 =	vld [tilespmem:$0x7630];
	v2 =	vadd.f32 v3, v2;
	v3 =	vadd.f32 $0.0e+00, v6  }
0xc7: {  	v51 =	vld [tilespmem:$0x7670];
	v1 =	vadd.f32 v5, v1;
	v0 =	vadd.f32 v8, v0  }
0xc8: {  	v52 =	vld [tilespmem:$0x7680];
	v3 =	vadd.f32 v7, v3;
	v2 =	vadd.f32 v10, v2  }
0xc9: {  	v53 =	vld [tilespmem:$0x76C0];
	v0 =	vadd.f32 v9, v0;
	v1 =	vadd.f32 v12, v1  }
0xca: {  	v54 =	vld [tilespmem:$0x7690];
	v2 =	vadd.f32 v11, v2;
	v3 =	vadd.f32 v14, v3  }
0xcb: {  	v55 =	vld [tilespmem:$0x76D0];
	v1 =	vadd.f32 v13, v1;
	v0 =	vadd.f32 v16, v0  }
0xcc: {  	v56 =	vld [tilespmem:$0x76A0];
	v3 =	vadd.f32 v15, v3;
	v2 =	vadd.f32 v18, v2  }
0xcd: {  	v57 =	vld [tilespmem:$0x76E0];
	v0 =	vadd.f32 v17, v0;
	v1 =	vadd.f32 v20, v1  }
0xce: {  	v58 =	vld [tilespmem:$0x76B0];
	v2 =	vadd.f32 v19, v2;
	v3 =	vadd.f32 v22, v3  }
0xcf: {  	v59 =	vld [tilespmem:$0x76F0];
	v1 =	vadd.f32 v21, v1;
	v0 =	vadd.f32 v24, v0  }
0xd0: {  	v60 =	vld [tilespmem:$0x7700];
	v3 =	vadd.f32 v23, v3;
	v2 =	vadd.f32 v26, v2  }
0xd1: {  	v61 =	vld [tilespmem:$0x7740];
	v0 =	vadd.f32 v25, v0;
	v1 =	vadd.f32 v28, v1  }
0xd2: {  	v4 =	vld [tilespmem:$0x75E0];
	v2 =	vadd.f32 v27, v2;
	v3 =	vadd.f32 v30, v3  }
0xd3: {  	v6 =	vld [tilespmem:$0x75B0];
	v1 =	vadd.f32 v29, v1;
	v0 =	vadd.f32 v32, v0  }
0xd4: {  	v5 =	vld [tilespmem:$0x75F0];
	v3 =	vadd.f32 v31, v3;
	v2 =	vadd.f32 v34, v2  }
0xd5: {  	v7 =	vld [tilespmem:$0x7600];
	v0 =	vadd.f32 v33, v0;
	v1 =	vadd.f32 v36, v1  }
0xd6: {  	v8 =	vld [tilespmem:$0x7640];
	v2 =	vadd.f32 v35, v2;
	v3 =	vadd.f32 v38, v3  }
0xd7: {  	v9 =	vld [tilespmem:$0x7610];
	v1 =	vadd.f32 v37, v1;
	v0 =	vadd.f32 v40, v0  }
0xd8: {  	v11 =	vld [tilespmem:$0x7620];
	v3 =	vadd.f32 v39, v3;
	v2 =	vadd.f32 v42, v2  }
0xd9: {  	v10 =	vld [tilespmem:$0x7650];
	v0 =	vadd.f32 v41, v0;
	v1 =	vadd.f32 v44, v1  }
0xda: {  	v62 =	vld [tilespmem:$0x7790];
	v2 =	vadd.f32 v43, v2;
	v3 =	vadd.f32 v6, v3  }
0xdb: {  	v63 =	vld [tilespmem:$0x77D0];
	v1 =	vadd.f32 v4, v1;
	v0 =	vadd.f32 v7, v0  }
0xdc: {  	v6 =	vld [tilespmem:$0x7710];
	v3 =	vadd.f32 v5, v3;
	v2 =	vadd.f32 v9, v2  }
0xdd: {  	v4 =	vld [tilespmem:$0x7750];
	v0 =	vadd.f32 v8, v0;
	v1 =	vadd.f32 v11, v1  }
0xde: {  	v5 =	vld [tilespmem:$0x7720];
	v2 =	vadd.f32 v10, v2;
	v3 =	vadd.f32 v50, v3  }
0xdf: {  	v7 =	vld [tilespmem:$0x7760];
	v1 =	vadd.f32 v49, v1;
	v0 =	vadd.f32 v52, v0  }
0xe0: {  	v9 =	vld [tilespmem:$0x7770];
	v3 =	vadd.f32 v51, v3;
	v2 =	vadd.f32 v54, v2  }
0xe1: {  	v8 =	vld [tilespmem:$0x7730];
	v0 =	vadd.f32 v53, v0;
	v1 =	vadd.f32 v56, v1  }
0xe2: {  	v10 =	vld [tilespmem:$0x7780];
	v2 =	vadd.f32 v55, v2;
	v3 =	vadd.f32 v58, v3  }
0xe3: {  	v11 =	vld [tilespmem:$0x77C0];
	v1 =	vadd.f32 v57, v1;
	v0 =	vadd.f32 v60, v0  }
0xe4: {  	v3 =	vadd.f32 v59, v3;
	v2 =	vadd.f32 v6, v2;
	v6 =	vld [tilespmem:$0x77A0]  }
0xe5: {  	v0 =	vadd.f32 v61, v0;
	v1 =	vadd.f32 v5, v1;
	v5 =	vld [tilespmem:$0x77B0]  }
0xe6: {  	v2 =	vadd.f32 v4, v2;
	v3 =	vadd.f32 v8, v3;
	v4 =	vld [tilespmem:$0x77E0]  }
0xe7: {  	v1 =	vadd.f32 v7, v1;
	v0 =	vadd.f32 v10, v0;
	v7 =	vld [tilespmem:$0x77F0]  }
0xe8: {  	v3 =	vadd.f32 v9, v3;
	v2 =	vadd.f32 v62, v2  }
0xe9: {  	v0 =	vadd.f32 v11, v0;
	v1 =	vadd.f32 v6, v1  }
0xea: {  	v2 =	vadd.f32 v63, v2;
	v3 =	vadd.f32 v5, v3  }
0xeb: {  	v1 =	vadd.f32 v4, v1;
	v0 =	vmul.f32 $5.000000070e-02, v0  }
0xec: {  	v2 =	vmul.f32 $5.000000070e-02, v2;
	v3 =	vadd.f32 v7, v3  }
0xed: {  	[tilespmem:s23+$0x14A80] =	vst v0;
	v0 =	vmul.f32 $5.000000070e-02, v1  }
0xee: {  	[tilespmem:s23+$0x14A90] =	vst v2;
	v1 =	vmul.f32 $5.000000070e-02, v3  }
0xef: {  	[tilespmem:s23+$0x14AA0] =	vst v0  }
0xf0: {  	s25 =	simm.s32 $0x0;
	[tilespmem:s23+$0x14AB0] =	vst v1  }
0xf1: {  	v1 =	vld [tilespmem:s25+$0xAA40]  }
0xf2: {  	v0 =	vld [tilespmem:s25+$0xAA50]  }
0xf3: {  	v2 =	vld [tilespmem:s25+$0xAA00]  }
0xf4: {  	v8 =	vimm.f32 $0.0e+00;
	v3 =	vld [tilespmem:s25+$0xAA10]  }
0xf5: {  	s26 =	simm.s32 $0x200;
	v6 =	vimm.f32 $0.0e+00;
	v5 =	vimm.f32 $0.0e+00;
	v7 =	vimm.f32 $0.0e+00;
	v4 =	vld [tilespmem:s25+$0xAA20]  }
.LBB2_5:
0xf6: {  	p0 =	sne.s32 s26, $0xC600;
	v9 =	vld [tilespmem:s25+$0xAA30];
	v10 =	vmov v1  }
0xf7: {  	v11 =	vld [tilespmem:s25+$0xAA60];
	v12 =	vmov v0  }
0xf8: {  	v13 =	vld [tilespmem:s25+$0xAA70];
	s25 =	sshra.s32 s26, $0x2  }
.Ltmp1:
0xf9: {  	v1 =	vld [tilespmem:s25+$0xAA40];
	(pc) =	sbr.rel @p0 .LBB2_5-.Ltmp1, $4  }
0xfa: {  	v5 =	vadd.f32 v2, v5;
	v6 =	vadd.f32 v3, v6;
	v0 =	vld [tilespmem:s25+$0xAA50]  }
0xfb: {  	v8 =	vadd.f32 v4, v8;
	v2 =	vld [tilespmem:s25+$0xAA00];
	v7 =	vadd.f32 v9, v7  }
0xfc: {  	v5 =	vadd.f32 v10, v5;
	v6 =	vadd.f32 v12, v6;
	v3 =	vld [tilespmem:s25+$0xAA10]  }
0xfd: {  	s26 =	sadd.s32 $0x200, s26;
	v8 =	vadd.f32 v11, v8;
	v4 =	vld [tilespmem:s25+$0xAA20];
	v7 =	vadd.f32 v13, v7  }
0xfe: {  	v9 =	vld [tilespmem:s25+$0xAA30]  }
0xff: {  	v10 =	vld [tilespmem:s25+$0xAA60]  }
0x100: {  	v11 =	vld [tilespmem:s25+$0xAA70];
	v2 =	vadd.f32 v2, v5  }
0x101: {  	v3 =	vadd.f32 v3, v6  }
0x102: {  	v4 =	vadd.f32 v4, v8;
	v1 =	vadd.f32 v1, v2  }
0x103: {  	v2 =	vadd.f32 v9, v7;
	v0 =	vadd.f32 v0, v3  }
0x104: {  	v3 =	vadd.f32 v10, v4;
	v1 =	vmul.f32 $4.999999890e-03, v1  }
0x105: {  	p0 =	seq.s32 s21, $0x1F;
	v2 =	vadd.f32 v11, v2;
	v0 =	vmul.f32 $4.999999890e-03, v0  }
0x106: {  	s24 =	sadd.s32 @!p0 $0x2, s24;
	[tilespmem:s23+$0x14AC0] =	vst v1;
	v1 =	vmul.f32 $4.999999890e-03, v3  }
0x107: {  	s25 =	smul.u32 @!p0 $0xA0, s24;
	[tilespmem:s23+$0x14AD0] =	vst v0;
	v0 =	vmul.f32 $4.999999890e-03, v2  }
0x108: {  	s26 =	simm.s32 @!p0 $0x6E00;
	[tilespmem:s23+$0x14AE0] =	vst v1  }
0x109: {  	s24 =	smul.u32 @!p0 $0x640, s24;
	s25 =	sshra.s32 @!p0 s25, $0x2;
	[tilespmem:s23+$0x14AF0] =	vst v0;
	s23 =	simm.s32 @!p0 $0x28  }
0x10a: {  	[tilespmem:s26], [sflag:$0x1] =	stream.indirect.gather @!p0 [hbm4b:s3+s23], $0x40, s25, s23, $0xb8;
	[tilespmem:$0x18A00] =	vst v63  }
0x10b: {  	s23 =	sshra.s32 @!p0 s24, $0x2  }
0x10c: {  	s24 =	simm.s32 @!p0 $0x190;
	s25 =	simm.s32 @!p0 $0x7800;
	s23 =	sadd.s32 @!p0 $0xA00, s23  }
0x10d: {  	[tilespmem:s25], [sflag:$0x1] =	stream.indirect.gather @!p0 [hbm4b:s4+s24], $0x40, s23, s24, $0xb8;
	[tilespmem:$0x18A00] =	vst v63  }
0x10e: {  	_ =	swait.ge [sflag:s18], $0xA00  }
0x10f: {  	[sflag:s18] =	ssyncset.done $0x0  }
0x110: {  	[sflag:s18] =	ssyncadd.s32 $0xFFFFF600  }
0x111: {  	_ =	swait.ge [sflag:s18], $0x6400  }
0x112: {  	[sflag:s18] =	ssyncset.done $0x0  }
0x113: {  	[sflag:s18] =	ssyncadd.s32 $0xFFFF9C00  }
0x114: {  	v0 =	vld [tilespmem:$0xDC00]  }
0x115: {  	v1 =	vld [tilespmem:$0xDC40]  }
0x116: {  	v2 =	vld [tilespmem:$0xDC10]  }
0x117: {  	v3 =	vld [tilespmem:$0xDC50]  }
0x118: {  	v4 =	vld [tilespmem:$0xDC20]  }
0x119: {  	v5 =	vld [tilespmem:$0xDC60]  }
0x11a: {  	v6 =	vld [tilespmem:$0xDC30]  }
0x11b: {  	v7 =	vld [tilespmem:$0xDC70]  }
0x11c: {  	v8 =	vld [tilespmem:$0xDC80]  }
0x11d: {  	v9 =	vld [tilespmem:$0xDCC0]  }
0x11e: {  	v10 =	vld [tilespmem:$0xDC90]  }
0x11f: {  	v11 =	vld [tilespmem:$0xDCD0]  }
0x120: {  	v12 =	vld [tilespmem:$0xDCA0]  }
0x121: {  	v13 =	vld [tilespmem:$0xDCE0]  }
0x122: {  	v14 =	vld [tilespmem:$0xDCB0]  }
0x123: {  	v15 =	vld [tilespmem:$0xDCF0]  }
0x124: {  	v16 =	vld [tilespmem:$0xDD00]  }
0x125: {  	v17 =	vld [tilespmem:$0xDD40]  }
0x126: {  	v18 =	vld [tilespmem:$0xDD10]  }
0x127: {  	v19 =	vld [tilespmem:$0xDD50]  }
0x128: {  	v20 =	vld [tilespmem:$0xDD20]  }
0x129: {  	v21 =	vld [tilespmem:$0xDD60]  }
0x12a: {  	v22 =	vld [tilespmem:$0xDD30]  }
0x12b: {  	v23 =	vld [tilespmem:$0xDD70]  }
0x12c: {  	v24 =	vld [tilespmem:$0xDD80]  }
0x12d: {  	v25 =	vld [tilespmem:$0xDDC0]  }
0x12e: {  	v26 =	vld [tilespmem:$0xDD90]  }
0x12f: {  	v27 =	vld [tilespmem:$0xDDD0]  }
0x130: {  	v28 =	vld [tilespmem:$0xDDA0]  }
0x131: {  	v29 =	vld [tilespmem:$0xDDE0]  }
0x132: {  	v30 =	vld [tilespmem:$0xDDB0]  }
0x133: {  	v31 =	vld [tilespmem:$0xDDF0]  }
0x134: {  	v32 =	vld [tilespmem:$0xDE00]  }
0x135: {  	v33 =	vld [tilespmem:$0xDE40]  }
0x136: {  	v34 =	vld [tilespmem:$0xDE10]  }
0x137: {  	v35 =	vld [tilespmem:$0xDE50]  }
0x138: {  	v36 =	vld [tilespmem:$0xDE20]  }
0x139: {  	v37 =	vld [tilespmem:$0xDE60]  }
0x13a: {  	v38 =	vld [tilespmem:$0xDE30]  }
0x13b: {  	v39 =	vld [tilespmem:$0xDE70]  }
0x13c: {  	v40 =	vld [tilespmem:$0xDE80]  }
0x13d: {  	v41 =	vld [tilespmem:$0xDEC0]  }
0x13e: {  	v42 =	vld [tilespmem:$0xDE90]  }
0x13f: {  	v43 =	vld [tilespmem:$0xDED0];
	v0 =	vadd.f32 $0.0e+00, v0  }
0x140: {  	v44 =	vld [tilespmem:$0xDEA0];
	v2 =	vadd.f32 $0.0e+00, v2  }
0x141: {  	v49 =	vld [tilespmem:$0xDF60];
	v0 =	vadd.f32 v1, v0;
	v1 =	vadd.f32 $0.0e+00, v4  }
0x142: {  	v50 =	vld [tilespmem:$0xDF30];
	v2 =	vadd.f32 v3, v2;
	v3 =	vadd.f32 $0.0e+00, v6  }
0x143: {  	v51 =	vld [tilespmem:$0xDF70];
	v1 =	vadd.f32 v5, v1;
	v0 =	vadd.f32 v8, v0  }
0x144: {  	v52 =	vld [tilespmem:$0xDF80];
	v3 =	vadd.f32 v7, v3;
	v2 =	vadd.f32 v10, v2  }
0x145: {  	v53 =	vld [tilespmem:$0xDFC0];
	v0 =	vadd.f32 v9, v0;
	v1 =	vadd.f32 v12, v1  }
0x146: {  	v54 =	vld [tilespmem:$0xDF90];
	v2 =	vadd.f32 v11, v2;
	v3 =	vadd.f32 v14, v3  }
0x147: {  	v55 =	vld [tilespmem:$0xDFD0];
	v1 =	vadd.f32 v13, v1;
	v0 =	vadd.f32 v16, v0  }
0x148: {  	v56 =	vld [tilespmem:$0xDFA0];
	v3 =	vadd.f32 v15, v3;
	v2 =	vadd.f32 v18, v2  }
0x149: {  	v57 =	vld [tilespmem:$0xDFE0];
	v0 =	vadd.f32 v17, v0;
	v1 =	vadd.f32 v20, v1  }
0x14a: {  	v58 =	vld [tilespmem:$0xDFB0];
	v2 =	vadd.f32 v19, v2;
	v3 =	vadd.f32 v22, v3  }
0x14b: {  	v59 =	vld [tilespmem:$0xDFF0];
	v1 =	vadd.f32 v21, v1;
	v0 =	vadd.f32 v24, v0  }
0x14c: {  	v60 =	vld [tilespmem:$0xE000];
	v3 =	vadd.f32 v23, v3;
	v2 =	vadd.f32 v26, v2  }
0x14d: {  	v61 =	vld [tilespmem:$0xE040];
	v0 =	vadd.f32 v25, v0;
	v1 =	vadd.f32 v28, v1  }
0x14e: {  	v4 =	vld [tilespmem:$0xDEE0];
	v2 =	vadd.f32 v27, v2;
	v3 =	vadd.f32 v30, v3  }
0x14f: {  	v6 =	vld [tilespmem:$0xDEB0];
	v1 =	vadd.f32 v29, v1;
	v0 =	vadd.f32 v32, v0  }
0x150: {  	v5 =	vld [tilespmem:$0xDEF0];
	v3 =	vadd.f32 v31, v3;
	v2 =	vadd.f32 v34, v2  }
0x151: {  	v7 =	vld [tilespmem:$0xDF00];
	v0 =	vadd.f32 v33, v0;
	v1 =	vadd.f32 v36, v1  }
0x152: {  	v8 =	vld [tilespmem:$0xDF40];
	v2 =	vadd.f32 v35, v2;
	v3 =	vadd.f32 v38, v3  }
0x153: {  	v9 =	vld [tilespmem:$0xDF10];
	v1 =	vadd.f32 v37, v1;
	v0 =	vadd.f32 v40, v0  }
0x154: {  	v11 =	vld [tilespmem:$0xDF20];
	v3 =	vadd.f32 v39, v3;
	v2 =	vadd.f32 v42, v2  }
0x155: {  	v10 =	vld [tilespmem:$0xDF50];
	v0 =	vadd.f32 v41, v0;
	v1 =	vadd.f32 v44, v1  }
0x156: {  	v62 =	vld [tilespmem:$0xE090];
	v2 =	vadd.f32 v43, v2;
	v3 =	vadd.f32 v6, v3  }
0x157: {  	v63 =	vld [tilespmem:$0xE0D0];
	v1 =	vadd.f32 v4, v1;
	v0 =	vadd.f32 v7, v0  }
0x158: {  	v6 =	vld [tilespmem:$0xE010];
	v3 =	vadd.f32 v5, v3;
	v2 =	vadd.f32 v9, v2  }
0x159: {  	v4 =	vld [tilespmem:$0xE050];
	v0 =	vadd.f32 v8, v0;
	v1 =	vadd.f32 v11, v1  }
0x15a: {  	v5 =	vld [tilespmem:$0xE020];
	v2 =	vadd.f32 v10, v2;
	v3 =	vadd.f32 v50, v3  }
0x15b: {  	v7 =	vld [tilespmem:$0xE060];
	v1 =	vadd.f32 v49, v1;
	v0 =	vadd.f32 v52, v0  }
0x15c: {  	v9 =	vld [tilespmem:$0xE070];
	v3 =	vadd.f32 v51, v3;
	v2 =	vadd.f32 v54, v2  }
0x15d: {  	v8 =	vld [tilespmem:$0xE030];
	v0 =	vadd.f32 v53, v0;
	v1 =	vadd.f32 v56, v1  }
0x15e: {  	v10 =	vld [tilespmem:$0xE080];
	v2 =	vadd.f32 v55, v2;
	v3 =	vadd.f32 v58, v3  }
0x15f: {  	v11 =	vld [tilespmem:$0xE0C0];
	v1 =	vadd.f32 v57, v1;
	v0 =	vadd.f32 v60, v0  }
0x160: {  	v3 =	vadd.f32 v59, v3;
	v2 =	vadd.f32 v6, v2;
	v6 =	vld [tilespmem:$0xE0A0]  }
0x161: {  	v0 =	vadd.f32 v61, v0;
	v1 =	vadd.f32 v5, v1;
	v5 =	vld [tilespmem:$0xE0B0]  }
0x162: {  	v2 =	vadd.f32 v4, v2;
	v3 =	vadd.f32 v8, v3;
	v4 =	vld [tilespmem:$0xE0E0]  }
0x163: {  	v1 =	vadd.f32 v7, v1;
	v0 =	vadd.f32 v10, v0;
	v7 =	vld [tilespmem:$0xE0F0]  }
0x164: {  	v3 =	vadd.f32 v9, v3;
	v2 =	vadd.f32 v62, v2  }
0x165: {  	v0 =	vadd.f32 v11, v0;
	v1 =	vadd.f32 v6, v1  }
0x166: {  	v2 =	vadd.f32 v63, v2;
	v3 =	vadd.f32 v5, v3  }
0x167: {  	s22 =	sshll.u32 s22, $0x8;
	v1 =	vadd.f32 v4, v1;
	v0 =	vmul.f32 $5.000000070e-02, v0  }
0x168: {  	s22 =	sand.u32 $0x3FFFFF00, s22;
	v2 =	vmul.f32 $5.000000070e-02, v2;
	v3 =	vadd.f32 v7, v3  }
0x169: {  	[tilespmem:s22+$0x14A00] =	vst v0;
	v0 =	vmul.f32 $5.000000070e-02, v1  }
0x16a: {  	[tilespmem:s22+$0x14A10] =	vst v2;
	v1 =	vmul.f32 $5.000000070e-02, v3  }
0x16b: {  	[tilespmem:s22+$0x14A20] =	vst v0  }
0x16c: {  	s23 =	simm.s32 $0x0;
	[tilespmem:s22+$0x14A30] =	vst v1  }
0x16d: {  	v1 =	vld [tilespmem:s23+$0xE640]  }
0x16e: {  	v0 =	vld [tilespmem:s23+$0xE650]  }
0x16f: {  	v2 =	vld [tilespmem:s23+$0xE600]  }
0x170: {  	v8 =	vimm.f32 $0.0e+00;
	v3 =	vld [tilespmem:s23+$0xE610]  }
0x171: {  	s24 =	simm.s32 $0x200;
	v6 =	vimm.f32 $0.0e+00;
	v5 =	vimm.f32 $0.0e+00;
	v7 =	vimm.f32 $0.0e+00;
	v4 =	vld [tilespmem:s23+$0xE620]  }
.LBB2_7:
0x172: {  	p0 =	sne.s32 s24, $0xC600;
	v9 =	vld [tilespmem:s23+$0xE630];
	v10 =	vmov v1  }
0x173: {  	v11 =	vld [tilespmem:s23+$0xE660];
	v12 =	vmov v0  }
0x174: {  	v13 =	vld [tilespmem:s23+$0xE670];
	s23 =	sshra.s32 s24, $0x2  }
.Ltmp2:
0x175: {  	v1 =	vld [tilespmem:s23+$0xE640];
	(pc) =	sbr.rel @p0 .LBB2_7-.Ltmp2, $4  }
0x176: {  	v5 =	vadd.f32 v2, v5;
	v6 =	vadd.f32 v3, v6;
	v0 =	vld [tilespmem:s23+$0xE650]  }
0x177: {  	v8 =	vadd.f32 v4, v8;
	v2 =	vld [tilespmem:s23+$0xE600];
	v7 =	vadd.f32 v9, v7  }
0x178: {  	v5 =	vadd.f32 v10, v5;
	v6 =	vadd.f32 v12, v6;
	v3 =	vld [tilespmem:s23+$0xE610]  }
0x179: {  	s24 =	sadd.s32 $0x200, s24;
	v8 =	vadd.f32 v11, v8;
	v4 =	vld [tilespmem:s23+$0xE620];
	v7 =	vadd.f32 v13, v7  }
0x17a: {  	v9 =	vld [tilespmem:s23+$0xE630]  }
0x17b: {  	v10 =	vld [tilespmem:s23+$0xE660]  }
0x17c: {  	v11 =	vld [tilespmem:s23+$0xE670];
	v2 =	vadd.f32 v2, v5  }
0x17d: {  	v3 =	vadd.f32 v3, v6  }
0x17e: {  	v4 =	vadd.f32 v4, v8;
	v1 =	vadd.f32 v1, v2  }
0x17f: {  	v2 =	vadd.f32 v9, v7;
	v0 =	vadd.f32 v0, v3  }
0x180: {  	v3 =	vadd.f32 v10, v4;
	v1 =	vmul.f32 $4.999999890e-03, v1  }
0x181: {  	v2 =	vadd.f32 v11, v2;
	v0 =	vmul.f32 $4.999999890e-03, v0  }
0x182: {  	[tilespmem:s22+$0x14A40] =	vst v1;
	v1 =	vmul.f32 $4.999999890e-03, v3  }
0x183: {  	[tilespmem:s22+$0x14A50] =	vst v0;
	v0 =	vmul.f32 $4.999999890e-03, v2  }
0x184: {  	[tilespmem:s22+$0x14A60] =	vst v1  }
0x185: {  	[tilespmem:s22+$0x14A70] =	vst v0  }
0x186: {  	v0 =	vld [tilespmem:$0xE100]  }
0x187: {  	v1 =	vld [tilespmem:$0xE140]  }
0x188: {  	v2 =	vld [tilespmem:$0xE110]  }
0x189: {  	v3 =	vld [tilespmem:$0xE150]  }
0x18a: {  	v4 =	vld [tilespmem:$0xE120]  }
0x18b: {  	v5 =	vld [tilespmem:$0xE160]  }
0x18c: {  	v6 =	vld [tilespmem:$0xE130]  }
0x18d: {  	v7 =	vld [tilespmem:$0xE170]  }
0x18e: {  	v8 =	vld [tilespmem:$0xE180]  }
0x18f: {  	v9 =	vld [tilespmem:$0xE1C0]  }
0x190: {  	v10 =	vld [tilespmem:$0xE190]  }
0x191: {  	v11 =	vld [tilespmem:$0xE1D0]  }
0x192: {  	v12 =	vld [tilespmem:$0xE1A0]  }
0x193: {  	v13 =	vld [tilespmem:$0xE1E0]  }
0x194: {  	v14 =	vld [tilespmem:$0xE1B0]  }
0x195: {  	v15 =	vld [tilespmem:$0xE1F0]  }
0x196: {  	v16 =	vld [tilespmem:$0xE200]  }
0x197: {  	v17 =	vld [tilespmem:$0xE240]  }
0x198: {  	v18 =	vld [tilespmem:$0xE210]  }
0x199: {  	v19 =	vld [tilespmem:$0xE250]  }
0x19a: {  	v20 =	vld [tilespmem:$0xE220]  }
0x19b: {  	v21 =	vld [tilespmem:$0xE260]  }
0x19c: {  	v22 =	vld [tilespmem:$0xE230]  }
0x19d: {  	v23 =	vld [tilespmem:$0xE270]  }
0x19e: {  	v24 =	vld [tilespmem:$0xE280]  }
0x19f: {  	v25 =	vld [tilespmem:$0xE2C0]  }
0x1a0: {  	v26 =	vld [tilespmem:$0xE290]  }
0x1a1: {  	v27 =	vld [tilespmem:$0xE2D0]  }
0x1a2: {  	v28 =	vld [tilespmem:$0xE2A0]  }
0x1a3: {  	v29 =	vld [tilespmem:$0xE2E0]  }
0x1a4: {  	v30 =	vld [tilespmem:$0xE2B0]  }
0x1a5: {  	v31 =	vld [tilespmem:$0xE2F0]  }
0x1a6: {  	v32 =	vld [tilespmem:$0xE300]  }
0x1a7: {  	v33 =	vld [tilespmem:$0xE340]  }
0x1a8: {  	v34 =	vld [tilespmem:$0xE310]  }
0x1a9: {  	v35 =	vld [tilespmem:$0xE350]  }
0x1aa: {  	v36 =	vld [tilespmem:$0xE320]  }
0x1ab: {  	v37 =	vld [tilespmem:$0xE360]  }
0x1ac: {  	v38 =	vld [tilespmem:$0xE330]  }
0x1ad: {  	v39 =	vld [tilespmem:$0xE370]  }
0x1ae: {  	v40 =	vld [tilespmem:$0xE380]  }
0x1af: {  	v41 =	vld [tilespmem:$0xE3C0]  }
0x1b0: {  	v42 =	vld [tilespmem:$0xE390]  }
0x1b1: {  	v43 =	vld [tilespmem:$0xE3D0];
	v0 =	vadd.f32 $0.0e+00, v0  }
0x1b2: {  	v44 =	vld [tilespmem:$0xE3A0];
	v2 =	vadd.f32 $0.0e+00, v2  }
0x1b3: {  	v49 =	vld [tilespmem:$0xE460];
	v0 =	vadd.f32 v1, v0;
	v1 =	vadd.f32 $0.0e+00, v4  }
0x1b4: {  	v50 =	vld [tilespmem:$0xE430];
	v2 =	vadd.f32 v3, v2;
	v3 =	vadd.f32 $0.0e+00, v6  }
0x1b5: {  	v51 =	vld [tilespmem:$0xE470];
	v1 =	vadd.f32 v5, v1;
	v0 =	vadd.f32 v8, v0  }
0x1b6: {  	v52 =	vld [tilespmem:$0xE480];
	v3 =	vadd.f32 v7, v3;
	v2 =	vadd.f32 v10, v2  }
0x1b7: {  	v53 =	vld [tilespmem:$0xE4C0];
	v0 =	vadd.f32 v9, v0;
	v1 =	vadd.f32 v12, v1  }
0x1b8: {  	v54 =	vld [tilespmem:$0xE490];
	v2 =	vadd.f32 v11, v2;
	v3 =	vadd.f32 v14, v3  }
0x1b9: {  	v55 =	vld [tilespmem:$0xE4D0];
	v1 =	vadd.f32 v13, v1;
	v0 =	vadd.f32 v16, v0  }
0x1ba: {  	v56 =	vld [tilespmem:$0xE4A0];
	v3 =	vadd.f32 v15, v3;
	v2 =	vadd.f32 v18, v2  }
0x1bb: {  	v57 =	vld [tilespmem:$0xE4E0];
	v0 =	vadd.f32 v17, v0;
	v1 =	vadd.f32 v20, v1  }
0x1bc: {  	v58 =	vld [tilespmem:$0xE4B0];
	v2 =	vadd.f32 v19, v2;
	v3 =	vadd.f32 v22, v3  }
0x1bd: {  	v59 =	vld [tilespmem:$0xE4F0];
	v1 =	vadd.f32 v21, v1;
	v0 =	vadd.f32 v24, v0  }
0x1be: {  	v60 =	vld [tilespmem:$0xE500];
	v3 =	vadd.f32 v23, v3;
	v2 =	vadd.f32 v26, v2  }
0x1bf: {  	v61 =	vld [tilespmem:$0xE540];
	v0 =	vadd.f32 v25, v0;
	v1 =	vadd.f32 v28, v1  }
0x1c0: {  	v4 =	vld [tilespmem:$0xE3E0];
	v2 =	vadd.f32 v27, v2;
	v3 =	vadd.f32 v30, v3  }
0x1c1: {  	v6 =	vld [tilespmem:$0xE3B0];
	v1 =	vadd.f32 v29, v1;
	v0 =	vadd.f32 v32, v0  }
0x1c2: {  	v5 =	vld [tilespmem:$0xE3F0];
	v3 =	vadd.f32 v31, v3;
	v2 =	vadd.f32 v34, v2  }
0x1c3: {  	v7 =	vld [tilespmem:$0xE400];
	v0 =	vadd.f32 v33, v0;
	v1 =	vadd.f32 v36, v1  }
0x1c4: {  	v8 =	vld [tilespmem:$0xE440];
	v2 =	vadd.f32 v35, v2;
	v3 =	vadd.f32 v38, v3  }
0x1c5: {  	v9 =	vld [tilespmem:$0xE410];
	v1 =	vadd.f32 v37, v1;
	v0 =	vadd.f32 v40, v0  }
0x1c6: {  	v11 =	vld [tilespmem:$0xE420];
	v3 =	vadd.f32 v39, v3;
	v2 =	vadd.f32 v42, v2  }
0x1c7: {  	v10 =	vld [tilespmem:$0xE450];
	v0 =	vadd.f32 v41, v0;
	v1 =	vadd.f32 v44, v1  }
0x1c8: {  	v62 =	vld [tilespmem:$0xE590];
	v2 =	vadd.f32 v43, v2;
	v3 =	vadd.f32 v6, v3  }
0x1c9: {  	v63 =	vld [tilespmem:$0xE5D0];
	v1 =	vadd.f32 v4, v1;
	v0 =	vadd.f32 v7, v0  }
0x1ca: {  	v6 =	vld [tilespmem:$0xE510];
	v3 =	vadd.f32 v5, v3;
	v2 =	vadd.f32 v9, v2  }
0x1cb: {  	v4 =	vld [tilespmem:$0xE550];
	v0 =	vadd.f32 v8, v0;
	v1 =	vadd.f32 v11, v1  }
0x1cc: {  	v5 =	vld [tilespmem:$0xE520];
	v2 =	vadd.f32 v10, v2;
	v3 =	vadd.f32 v50, v3  }
0x1cd: {  	v7 =	vld [tilespmem:$0xE560];
	v1 =	vadd.f32 v49, v1;
	v0 =	vadd.f32 v52, v0  }
0x1ce: {  	v9 =	vld [tilespmem:$0xE570];
	v3 =	vadd.f32 v51, v3;
	v2 =	vadd.f32 v54, v2  }
0x1cf: {  	v8 =	vld [tilespmem:$0xE530];
	v0 =	vadd.f32 v53, v0;
	v1 =	vadd.f32 v56, v1  }
0x1d0: {  	v10 =	vld [tilespmem:$0xE580];
	v2 =	vadd.f32 v55, v2;
	v3 =	vadd.f32 v58, v3  }
0x1d1: {  	v11 =	vld [tilespmem:$0xE5C0];
	v1 =	vadd.f32 v57, v1;
	v0 =	vadd.f32 v60, v0  }
0x1d2: {  	v3 =	vadd.f32 v59, v3;
	v2 =	vadd.f32 v6, v2;
	v6 =	vld [tilespmem:$0xE5A0]  }
0x1d3: {  	v0 =	vadd.f32 v61, v0;
	v1 =	vadd.f32 v5, v1;
	v5 =	vld [tilespmem:$0xE5B0]  }
0x1d4: {  	v2 =	vadd.f32 v4, v2;
	v3 =	vadd.f32 v8, v3;
	v4 =	vld [tilespmem:$0xE5E0]  }
0x1d5: {  	v1 =	vadd.f32 v7, v1;
	v0 =	vadd.f32 v10, v0;
	v7 =	vld [tilespmem:$0xE5F0]  }
0x1d6: {  	v3 =	vadd.f32 v9, v3;
	v2 =	vadd.f32 v62, v2  }
0x1d7: {  	v0 =	vadd.f32 v11, v0;
	v1 =	vadd.f32 v6, v1  }
0x1d8: {  	v2 =	vadd.f32 v63, v2;
	v3 =	vadd.f32 v5, v3  }
0x1d9: {  	v1 =	vadd.f32 v4, v1;
	v0 =	vmul.f32 $5.000000070e-02, v0  }
0x1da: {  	v2 =	vmul.f32 $5.000000070e-02, v2;
	v3 =	vadd.f32 v7, v3  }
0x1db: {  	[tilespmem:s22+$0x14A80] =	vst v0;
	v0 =	vmul.f32 $5.000000070e-02, v1  }
0x1dc: {  	[tilespmem:s22+$0x14A90] =	vst v2;
	v1 =	vmul.f32 $5.000000070e-02, v3  }
0x1dd: {  	[tilespmem:s22+$0x14AA0] =	vst v0  }
0x1de: {  	s23 =	simm.s32 $0x0;
	[tilespmem:s22+$0x14AB0] =	vst v1  }
0x1df: {  	v1 =	vld [tilespmem:s23+$0x11840]  }
0x1e0: {  	v0 =	vld [tilespmem:s23+$0x11850]  }
0x1e1: {  	v2 =	vld [tilespmem:s23+$0x11800]  }
0x1e2: {  	v8 =	vimm.f32 $0.0e+00;
	v3 =	vld [tilespmem:s23+$0x11810]  }
0x1e3: {  	s24 =	simm.s32 $0x200;
	v6 =	vimm.f32 $0.0e+00;
	v5 =	vimm.f32 $0.0e+00;
	v7 =	vimm.f32 $0.0e+00;
	v4 =	vld [tilespmem:s23+$0x11820]  }
.LBB2_9:
0x1e4: {  	p0 =	sne.s32 s24, $0xC600;
	v9 =	vld [tilespmem:s23+$0x11830];
	v10 =	vmov v1  }
0x1e5: {  	v11 =	vld [tilespmem:s23+$0x11860];
	v12 =	vmov v0  }
0x1e6: {  	v13 =	vld [tilespmem:s23+$0x11870];
	s23 =	sshra.s32 s24, $0x2  }
.Ltmp3:
0x1e7: {  	v1 =	vld [tilespmem:s23+$0x11840];
	(pc) =	sbr.rel @p0 .LBB2_9-.Ltmp3, $4  }
0x1e8: {  	v5 =	vadd.f32 v2, v5;
	v6 =	vadd.f32 v3, v6;
	v0 =	vld [tilespmem:s23+$0x11850]  }
0x1e9: {  	v8 =	vadd.f32 v4, v8;
	v2 =	vld [tilespmem:s23+$0x11800];
	v7 =	vadd.f32 v9, v7  }
0x1ea: {  	v5 =	vadd.f32 v10, v5;
	v6 =	vadd.f32 v12, v6;
	v3 =	vld [tilespmem:s23+$0x11810]  }
0x1eb: {  	s24 =	sadd.s32 $0x200, s24;
	v8 =	vadd.f32 v11, v8;
	v4 =	vld [tilespmem:s23+$0x11820];
	v7 =	vadd.f32 v13, v7  }
0x1ec: {  	v9 =	vld [tilespmem:s23+$0x11830]  }
0x1ed: {  	v10 =	vld [tilespmem:s23+$0x11860]  }
0x1ee: {  	v11 =	vld [tilespmem:s23+$0x11870];
	v2 =	vadd.f32 v2, v5  }
0x1ef: {  	v3 =	vadd.f32 v3, v6  }
0x1f0: {  	v4 =	vadd.f32 v4, v8;
	v1 =	vadd.f32 v1, v2  }
0x1f1: {  	s21 =	sadd.s32 $0x1, s21;
	v60 =	vadd.f32 v9, v7;
	v0 =	vadd.f32 v0, v3  }
0x1f2: {  	p0 =	sne.s32 s21, $0x20;
	v61 =	vadd.f32 v10, v4;
	v1 =	vmul.f32 $4.999999890e-03, v1  }
.Ltmp4:
0x1f3: {  	v2 =	vadd.f32 v11, v60;
	v0 =	vmul.f32 $4.999999890e-03, v0;
	(pc) =	sbr.rel @p0 .LBB2_2-.Ltmp4, $4  }
0x1f4: {  	[tilespmem:s22+$0x14AC0] =	vst v1;
	v62 =	vmul.f32 $4.999999890e-03, v61  }
0x1f5: {  	[tilespmem:s22+$0x14AD0] =	vst v0;
	v63 =	vmul.f32 $4.999999890e-03, v2  }
0x1f6: {  	[tilespmem:s22+$0x14AE0] =	vst v62  }
0x1f7: {  	[tilespmem:s22+$0x14AF0] =	vst v63  }
0x1f8: {  	s20 =	sadd.s32 $0x1, s20  }
0x1f9: {  	p0 =	sne.s32 s20, s8  }
.Ltmp5:
0x1fa: {  	_ = 	snop;
	(pc) =	sbr.rel @p0 .LBB2_1-.Ltmp5, $4  }
0x1fb: {  	[hbm4b:s7+s2] =	stream.linear.scatter [tilespmem:s19], [sflag:$0x3], $0x4000, $0x38;
	[tilespmem:$0x18A00] =	vst v63  }
0x1fc: {  	_ =	swait.ge [sflag:s9], $0x4000  }
0x1fd: {  	[sflag:s9] =	ssyncset.done $0x0  }
0x1fe: {  	[sflag:s9] =	ssyncadd.s32 $0xFFFFC000  }
0x1ff: {  	_ =	sfence.sel $0x180000  }
0x200: {  	[bflag:$0x0] =	sbarrier.arrive $0xFFFF  }
0x201: {  	p0 =	sne.s32 s0, $0x0;
	_ =	strace $0x9000004A  }
0x202: {  	s0 =	sadd.s32 @!p0 $0x100000, s1;
	[bflag:$0x2] =	sbarrier.arrive $0xFFFF  }
0x203: {  	[sflag:s0] =	ssyncadd.tile.s32 @!p0 $0x1;
	_ =	shalt  }
.Lfunc_end2:
_tile_overlayer_lowered:
.L_overlay_start_2:
0x204: {  	(tag) =	ssettag $0x2  }
0x205: {  	s0 =	rddreg [dreg:$0x0];
	s2 =	stileid.u32  }
0x206: {  	s1 =	rddreg [dreg:$0x1];
	p0 =	sne.s32 s2, $0x0  }
0x207: {  	s3 =	rddreg [dreg:$0x2];
	[bflag:$0x3] =	sbarrier.arrive $0xFFFF;
	s2 =	simm.s32 @!p0 $0x1C03  }
0x208: {  	[timem:s3], [sflag:s2] =	dma.local @!p0 [hbm:s0], s1  }
0x209: {  	s0 =	simm.s32 @!p0 $0x3  }
0x20a: {  	_ =	swait.ge @!p0 [sflag:s0], s1  }
0x20b: {  	s1 =	ssub.s32 @!p0 $0x0, s1;
	[sflag:s0] =	ssyncset.done @!p0 $0x0  }
0x20c: {  	[sflag:s0] =	ssyncadd.s32 @!p0 s1  }
0x20d: {  	[bflag:$0x3] =	sbarrier.arrive $0xFFFF  }
0x20e: {  	_ =	shalt  }

</sc_bundles>
